<compile_context>
chip_gen: v7x
topology: tpu7x:2x2x1
jax: 0.10.2.dev20260603
libtpu: 0.0.44.dev20260713+nightly
codegen_flags: <defaults>
</compile_context>

<pallas_src>
import functools

import jax
import jax.numpy as jnp
from jax import lax
from jax.experimental import pallas as pl
from jax.experimental.pallas import tpu as pltpu
from jax.experimental.pallas import tpu_sc as plsc

PASS_TIME = 1.0
N_INTERVAL = 100
OUT_DIM = 64
NBINS = N_INTERVAL + 1
TSTRIDE = 65

NW = 32
DBLK = 8
B = 4096
LPAD = 208


def _tc_transpose(timestamp):
    batch, l1 = timestamp.shape
    blk = 1024

    def body(ts_ref, o_ref):
        t = jnp.transpose(ts_ref[...], (1, 0))
        o_ref[...] = jnp.concatenate(
            [t, jnp.zeros((LPAD - l1, blk), jnp.float32)], axis=0
        )

    return pl.pallas_call(
        body,
        grid=(batch // blk,),
        in_specs=[pl.BlockSpec((blk, l1), lambda i: (i, 0))],
        out_specs=pl.BlockSpec((LPAD, blk), lambda i: (0, i)),
        out_shape=jax.ShapeDtypeStruct((LPAD, batch), jnp.float32),
    )(timestamp)


def _sc_time_encode(tsT, table65, L):
    units = L * (OUT_DIM // DBLK)
    upw = units // NW
    tabn = NBINS * TSTRIDE + 3
    mesh = plsc.VectorSubcoreMesh(core_axis_name="c", subcore_axis_name="s")

    @functools.partial(
        pl.kernel,
        mesh=mesh,
        out_type=jax.ShapeDtypeStruct((L, OUT_DIM, B), jnp.float32),
        scratch_types=[
            pltpu.VMEM((B,), jnp.float32),
            pltpu.VMEM((B,), jnp.float32),
            pltpu.VMEM((B,), jnp.int32),
            pltpu.VMEM((tabn,), jnp.float32),
            pltpu.VMEM((DBLK, B), jnp.float32),
            pltpu.VMEM((DBLK, B), jnp.float32),
            pltpu.SemaphoreType.DMA,
            pltpu.SemaphoreType.DMA,
        ],
        compiler_params=pltpu.CompilerParams(needs_layout_passes=False),
    )
    def k(ts_h, tab_h, out_h, a_v, b_v, idx_v, tab_v, bufa, bufb, sema, semb):
        wid = lax.axis_index("s") * 2 + lax.axis_index("c")
        u0 = wid * upw
        pltpu.sync_copy(tab_h, tab_v)
        iota = lax.iota(jnp.int32, 16)
        swz = [(iota + i) & (DBLK - 1) for i in range(DBLK)]

        def assemble(u, buf):
            l = u // DBLK
            d0 = pl.multiple_of((u % DBLK) * DBLK, DBLK)

            @pl.when((u == u0) | (u % DBLK == 0))
            def _():
                pltpu.sync_copy(ts_h.at[l], a_v)
                pltpu.sync_copy(ts_h.at[l + 1], b_v)

                def mkidx(g, carry):
                    s = pl.ds(pl.multiple_of(g * 16, 16), 16)
                    dt = b_v[s] - a_v[s]
                    q = (dt * (N_INTERVAL / PASS_TIME)).astype(jnp.int32)
                    idx = jnp.minimum(jnp.maximum(q, 0), N_INTERVAL)
                    idx_v[s] = idx * TSTRIDE
                    return carry

                lax.fori_loop(0, B // 16, mkidx, 0)

            tsl = tab_v.at[pl.ds(d0, tabn - 56)]

            def group(g, carry):
                s = pl.ds(pl.multiple_of(g * 16, 16), 16)
                idx65 = idx_v[s]
                colv = iota + g * 16
                for i in range(DBLK):
                    val = plsc.load_gather(tsl, [idx65 + swz[i]])
                    plsc.store_scatter(buf, [swz[i], colv], val)
                return carry

            lax.fori_loop(0, B // 16, group, 0)
            return l, d0

        def start_store(l, d0, buf, sem):
            return pltpu.async_copy(
                buf, out_h.at[l, pl.ds(d0, DBLK), :], sem
            )

        def wait_store(buf, sem):
            pltpu.make_async_copy(
                buf, out_h.at[0, pl.ds(0, DBLK), :], sem
            ).wait()

        la, da = assemble(u0, bufa)
        start_store(la, da, bufa, sema)
        lb, db = assemble(u0 + 1, bufb)
        start_store(lb, db, bufb, semb)

        def pair(p, carry):
            u = u0 + 2 * p
            wait_store(bufa, sema)
            l1_, d1_ = assemble(u, bufa)
            start_store(l1_, d1_, bufa, sema)
            wait_store(bufb, semb)
            l2_, d2_ = assemble(u + 1, bufb)
            start_store(l2_, d2_, bufb, semb)
            return carry

        lax.fori_loop(1, upw // 2, pair, 0)
        wait_store(bufa, sema)
        wait_store(bufb, semb)

    return k(tsT, table65)


def kernel(inputs, timestamp, train, W, b):
    batch, L = inputs.shape
    table = W.T + b[None, :]
    t65 = jnp.concatenate(
        [table, jnp.zeros((NBINS, TSTRIDE - OUT_DIM), jnp.float32)], axis=1
    ).reshape(NBINS * TSTRIDE)
    t65 = jnp.concatenate([t65, jnp.zeros((3,), jnp.float32)])
    tsT = _tc_transpose(timestamp)
    out3 = _sc_time_encode(tsT, t65, L)
    emb = jnp.transpose(out3, (2, 0, 1))
    ts_prev = jnp.transpose(tsT[:L, :], (1, 0))
    return emb, ts_prev

# --- scband reference (transcript-rebuilt; emitter-appended) ---
"""Pipeline reference for scband-time-encoder-31980326486313 (READ-ONLY COPY).

The authoritative reference and input builder live on the scoring server;
editing this copy changes nothing except your own understanding.
"""

import jax, jax.numpy as jnp
import numpy as np

PASS_TIME = 1.0
N_INTERVAL = 100
OUT_DIM = 64
B, L = 4096, 200

def setup_inputs(seed: int = 0) -> dict:
    key = jax.random.key(seed)
    k1, k2, k3 = jax.random.split(key, 3)
    inputs = jax.random.randint(k1, (B, L), 0, 1000, dtype=jnp.int64) if jax.config.jax_enable_x64 else jax.random.randint(k1, (B, L), 0, 1000, dtype=jnp.int32)
    # timestamps in [0,1): consecutive diffs in (-1,1), so bin index in [0, 100] after relu -> in range for 101 bins
    timestamp = jax.random.uniform(k2, (B, L + 1), dtype=jnp.float32)
    # xavier_normal_ for Linear(n_interval+1 -> out_dim): weight shape [out, in]
    fan_in, fan_out = N_INTERVAL + 1, OUT_DIM
    std = float(np.sqrt(2.0 / (fan_in + fan_out)))
    W = jax.random.normal(k3, (OUT_DIM, N_INTERVAL + 1), dtype=jnp.float32) * std
    b = jnp.zeros((OUT_DIM,), dtype=jnp.float32)
    return {"inputs": inputs, "timestamp": timestamp, "train": 1, "W": W, "b": b}

def reference(inputs, timestamp, train, W, b):
    batch_size, max_len = inputs.shape
    # pass_time = timestamp[:,1:] - timestamp[:,:-1]
    dt = timestamp[:, 1:] - timestamp[:, :-1]
    # torch: F.relu((dt / pass_time * n_time_interval).long())  -- long truncates toward zero, then relu
    idx = jnp.maximum((dt / PASS_TIME * N_INTERVAL).astype(jnp.int32), 0)
    idx = idx.reshape(batch_size * max_len)
    # one-hot scatter: zeros.at[row, idx].set(1)
    one_hot = jnp.zeros((batch_size * max_len, N_INTERVAL + 1), dtype=jnp.float32)
    one_hot = one_hot.at[jnp.arange(batch_size * max_len), idx].set(1.0)
    # linear_1
    time_embedding = one_hot @ W.T + b
    time_embedding = time_embedding.reshape(batch_size, max_len, OUT_DIM)
    return (time_embedding, timestamp[:, :-1])

if __name__ == "__main__":
    import jax
    _d = setup_inputs()
    print(jax.jit(kernel)(*tuple(_d.values())))

</pallas_src>

<mosaic_0001>
#map = affine_map<(d0, d1) -> (0, 0)>
#map1 = affine_map<(d0, d1) -> (0)>
#map2 = affine_map<(d0, d1) -> (0, 0, 0)>
module attributes {stable_mosaic.version = 14 : i64} {
  func.func @k(%arg0: i32, %arg1: i32, %arg2: memref<208x4096xf32, #tpu.memory_space<hbm>>, %arg3: memref<6568xf32, #tpu.memory_space<hbm>>, %arg4: memref<200x64x4096xf32, #tpu.memory_space<hbm>>, %arg5: memref<4096xf32, #tpu.memory_space<vmem>>, %arg6: memref<4096xf32, #tpu.memory_space<vmem>>, %arg7: memref<4096xi32, #tpu.memory_space<vmem>>, %arg8: memref<6568xf32, #tpu.memory_space<vmem>>, %arg9: memref<8x4096xf32, #tpu.memory_space<vmem>>, %arg10: memref<8x4096xf32, #tpu.memory_space<vmem>>, %arg11: memref<!tpu.dma_semaphore, #tpu.memory_space<semaphore_mem>>, %arg12: memref<!tpu.dma_semaphore, #tpu.memory_space<semaphore_mem>>) attributes {dimension_semantics = [#tpu.dimension_semantics<core_parallel>, #tpu.dimension_semantics<subcore_parallel>], iteration_bounds = array<i64: 2, 16>, scalar_prefetch = 0 : i64, scratch_operands = 8 : i64, tpu.core_type = #tpu.core_type<sc_vector_subcore>, window_params = [{transform_indices = #map}, {transform_indices = #map1}, {transform_indices = #map2}]} {
    %mul3A = arith.constant 2 : i32
    %mul3A_0 = arith.muli %arg1, %mul3A : i32
    %add3A = arith.addi %mul3A_0, %arg0 : i32
    %mul3A_1 = arith.constant 50 : i32
    %mul3A_2 = arith.muli %add3A, %mul3A_1 : i32
    "tpu.region"() ({
      %run_scoped3A = tpu.sem_alloc : memref<!tpu.dma_semaphore, #tpu.memory_space<semaphore_mem>>
      tpu.enqueue_dma source(%arg3 : memref<6568xf32, #tpu.memory_space<hbm>>) target(%arg8 : memref<6568xf32, #tpu.memory_space<vmem>>) target_semaphore(%run_scoped3A : memref<!tpu.dma_semaphore, #tpu.memory_space<semaphore_mem>>)
      tpu.wait_dma2 semaphore(%run_scoped3A : memref<!tpu.dma_semaphore, #tpu.memory_space<semaphore_mem>>) src(%arg3 : memref<6568xf32, #tpu.memory_space<hbm>>) dst(%arg8 : memref<6568xf32, #tpu.memory_space<vmem>>)
      tpu.yield
    }) : () -> ()
    %iota3A = tpu.iota {dimensions = array<i32: 0>} : vector<16xi32>
    %add3A_3 = arith.constant 0 : i32
    %add3A_4 = vector.broadcast %add3A_3 : i32 to vector<16xi32>
    %add3A_5 = arith.addi %iota3A, %add3A_4 : vector<16xi32>
    %and3A = arith.constant 7 : i32
    %and3A_6 = vector.broadcast %and3A : i32 to vector<16xi32>
    %and3A_7 = arith.andi %add3A_5, %and3A_6 : vector<16xi32>
    %add3A_8 = arith.constant 1 : i32
    %add3A_9 = vector.broadcast %add3A_8 : i32 to vector<16xi32>
    %add3A_10 = arith.addi %iota3A, %add3A_9 : vector<16xi32>
    %and3A_11 = arith.constant 7 : i32
    %and3A_12 = vector.broadcast %and3A_11 : i32 to vector<16xi32>
    %and3A_13 = arith.andi %add3A_10, %and3A_12 : vector<16xi32>
    %add3A_14 = arith.constant 2 : i32
    %add3A_15 = vector.broadcast %add3A_14 : i32 to vector<16xi32>
    %add3A_16 = arith.addi %iota3A, %add3A_15 : vector<16xi32>
    %and3A_17 = arith.constant 7 : i32
    %and3A_18 = vector.broadcast %and3A_17 : i32 to vector<16xi32>
    %and3A_19 = arith.andi %add3A_16, %and3A_18 : vector<16xi32>
    %add3A_20 = arith.constant 3 : i32
    %add3A_21 = vector.broadcast %add3A_20 : i32 to vector<16xi32>
    %add3A_22 = arith.addi %iota3A, %add3A_21 : vector<16xi32>
    %and3A_23 = arith.constant 7 : i32
    %and3A_24 = vector.broadcast %and3A_23 : i32 to vector<16xi32>
    %and3A_25 = arith.andi %add3A_22, %and3A_24 : vector<16xi32>
    %add3A_26 = arith.constant 4 : i32
    %add3A_27 = vector.broadcast %add3A_26 : i32 to vector<16xi32>
    %add3A_28 = arith.addi %iota3A, %add3A_27 : vector<16xi32>
    %and3A_29 = arith.constant 7 : i32
    %and3A_30 = vector.broadcast %and3A_29 : i32 to vector<16xi32>
    %and3A_31 = arith.andi %add3A_28, %and3A_30 : vector<16xi32>
    %add3A_32 = arith.constant 5 : i32
    %add3A_33 = vector.broadcast %add3A_32 : i32 to vector<16xi32>
    %add3A_34 = arith.addi %iota3A, %add3A_33 : vector<16xi32>
    %and3A_35 = arith.constant 7 : i32
    %and3A_36 = vector.broadcast %and3A_35 : i32 to vector<16xi32>
    %and3A_37 = arith.andi %add3A_34, %and3A_36 : vector<16xi32>
    %add3A_38 = arith.constant 6 : i32
    %add3A_39 = vector.broadcast %add3A_38 : i32 to vector<16xi32>
    %add3A_40 = arith.addi %iota3A, %add3A_39 : vector<16xi32>
    %and3A_41 = arith.constant 7 : i32
    %and3A_42 = vector.broadcast %and3A_41 : i32 to vector<16xi32>
    %and3A_43 = arith.andi %add3A_40, %and3A_42 : vector<16xi32>
    %add3A_44 = arith.constant 7 : i32
    %add3A_45 = vector.broadcast %add3A_44 : i32 to vector<16xi32>
    %add3A_46 = arith.addi %iota3A, %add3A_45 : vector<16xi32>
    %and3A_47 = arith.constant 7 : i32
    %and3A_48 = vector.broadcast %and3A_47 : i32 to vector<16xi32>
    %and3A_49 = arith.andi %add3A_46, %and3A_48 : vector<16xi32>
    %jit3A = arith.constant 8 : i32
    %div3A = arith.divsi %mul3A_2, %jit3A : i32
    %sign3A = arith.constant 0 : i32
    %sign3A_50 = arith.cmpi sgt, %mul3A_2, %sign3A : i32
    %sign3A_51 = arith.extui %sign3A_50 : i1 to i32
    %sign3A_52 = arith.constant 0 : i32
    %sign3A_53 = arith.cmpi slt, %mul3A_2, %sign3A_52 : i32
    %sign3A_54 = arith.extui %sign3A_53 : i1 to i32
    %sign3A_55 = arith.subi %sign3A_51, %sign3A_54 : i32
    %sign3A_56 = arith.constant 0 : i32
    %sign3A_57 = arith.cmpi sgt, %jit3A, %sign3A_56 : i32
    %sign3A_58 = arith.extui %sign3A_57 : i1 to i32
    %sign3A_59 = arith.constant 0 : i32
    %sign3A_60 = arith.cmpi slt, %jit3A, %sign3A_59 : i32
    %sign3A_61 = arith.extui %sign3A_60 : i1 to i32
    %sign3A_62 = arith.subi %sign3A_58, %sign3A_61 : i32
    %ne3A = arith.cmpi ne, %sign3A_55, %sign3A_62 : i32
    %rem3A = arith.remsi %mul3A_2, %jit3A : i32
    %ne3A_63 = arith.constant 0 : i32
    %ne3A_64 = arith.cmpi ne, %rem3A, %ne3A_63 : i32
    %and3A_65 = arith.andi %ne3A, %ne3A_64 : i1
    %sub3A = arith.constant 1 : i32
    %sub3A_66 = arith.subi %div3A, %sub3A : i32
    %select_n3A = arith.select %and3A_65, %sub3A_66, %div3A : i32
    %jit3A_67 = arith.constant 8 : i32
    %eq3A = arith.constant 0 : i32
    %eq3A_68 = arith.cmpi eq, %jit3A_67, %eq3A : i32
    %jit3A_69 = arith.constant 1 : i32
    %select_n3A_70 = arith.select %eq3A_68, %jit3A_69, %jit3A_67 : i32
    %rem3A_71 = arith.remsi %mul3A_2, %select_n3A_70 : i32
    %ne3A_72 = arith.constant 0 : i32
    %ne3A_73 = arith.cmpi ne, %rem3A_71, %ne3A_72 : i32
    %lt3A = arith.constant 0 : i32
    %lt3A_74 = arith.cmpi slt, %rem3A_71, %lt3A : i32
    %lt3A_75 = arith.constant 0 : i32
    %lt3A_76 = arith.cmpi slt, %select_n3A_70, %lt3A_75 : i32
    %ne3A_77 = arith.xori %lt3A_74, %lt3A_76 : i1
    %and3A_78 = arith.andi %ne3A_77, %ne3A_73 : i1
    %add3A_79 = arith.addi %rem3A_71, %select_n3A_70 : i32
    %select_n3A_80 = arith.select %and3A_78, %add3A_79, %rem3A_71 : i32
    %mul3A_81 = arith.constant 8 : i32
    %mul3A_82 = arith.muli %select_n3A_80, %mul3A_81 : i32
    %multiple_of3A = tpu.assume_multiple %mul3A_82, 8 : i32
    %eq3A_83 = arith.cmpi eq, %mul3A_2, %mul3A_2 : i32
    %jit3A_84 = arith.constant 8 : i32
    %eq3A_85 = arith.constant 0 : i32
    %eq3A_86 = arith.cmpi eq, %jit3A_84, %eq3A_85 : i32
    %jit3A_87 = arith.constant 1 : i32
    %select_n3A_88 = arith.select %eq3A_86, %jit3A_87, %jit3A_84 : i32
    %rem3A_89 = arith.remsi %mul3A_2, %select_n3A_88 : i32
    %ne3A_90 = arith.constant 0 : i32
    %ne3A_91 = arith.cmpi ne, %rem3A_89, %ne3A_90 : i32
    %lt3A_92 = arith.constant 0 : i32
    %lt3A_93 = arith.cmpi slt, %rem3A_89, %lt3A_92 : i32
    %lt3A_94 = arith.constant 0 : i32
    %lt3A_95 = arith.cmpi slt, %select_n3A_88, %lt3A_94 : i32
    %ne3A_96 = arith.xori %lt3A_93, %lt3A_95 : i1
    %and3A_97 = arith.andi %ne3A_96, %ne3A_91 : i1
    %add3A_98 = arith.addi %rem3A_89, %select_n3A_88 : i32
    %select_n3A_99 = arith.select %and3A_97, %add3A_98, %rem3A_89 : i32
    %eq3A_100 = arith.constant 0 : i32
    %eq3A_101 = arith.cmpi eq, %select_n3A_99, %eq3A_100 : i32
    %or3A = arith.ori %eq3A_83, %eq3A_101 : i1
    %convert_element_type3A = arith.extui %or3A : i1 to i32
    %cond3A = arith.constant 0 : i32
    %cond3A_102 = arith.cmpi ne, %convert_element_type3A, %cond3A : i32
    scf.if %cond3A_102 {
      "tpu.region"() ({
        %run_scoped3A = tpu.sem_alloc : memref<!tpu.dma_semaphore, #tpu.memory_space<semaphore_mem>>
        %dma_start3A_224 = arith.constant 0 : i32
        %dma_start3A_225 = tpu.memref_slice %arg2[%select_n3A, %dma_start3A_224] : memref<208x4096xf32, #tpu.memory_space<hbm>> -> memref<1x4096xf32, #tpu.memory_space<hbm>>
        %dma_start3A_226 = tpu.memref_squeeze %dma_start3A_225 : memref<1x4096xf32, #tpu.memory_space<hbm>> -> memref<4096xf32, #tpu.memory_space<hbm>>
        %dma_start3A_227 = arith.constant 0 : i32
        %dma_start3A_228 = tpu.memref_slice %arg2[%select_n3A, %dma_start3A_227] : memref<208x4096xf32, #tpu.memory_space<hbm>> -> memref<1x4096xf32, #tpu.memory_space<hbm>>
        %dma_start3A_229 = tpu.memref_squeeze %dma_start3A_228 : memref<1x4096xf32, #tpu.memory_space<hbm>> -> memref<4096xf32, #tpu.memory_space<hbm>>
        tpu.enqueue_dma source(%dma_start3A_229 : memref<4096xf32, #tpu.memory_space<hbm>>) target(%arg5 : memref<4096xf32, #tpu.memory_space<vmem>>) target_semaphore(%run_scoped3A : memref<!tpu.dma_semaphore, #tpu.memory_space<semaphore_mem>>)
        %dma_wait3A_230 = arith.constant 0 : i32
        %dma_wait3A_231 = tpu.memref_slice %arg2[%select_n3A, %dma_wait3A_230] : memref<208x4096xf32, #tpu.memory_space<hbm>> -> memref<1x4096xf32, #tpu.memory_space<hbm>>
        %dma_wait3A_232 = tpu.memref_squeeze %dma_wait3A_231 : memref<1x4096xf32, #tpu.memory_space<hbm>> -> memref<4096xf32, #tpu.memory_space<hbm>>
        %dma_wait3A_233 = arith.constant 0 : i32
        %dma_wait3A_234 = tpu.memref_slice %arg2[%select_n3A, %dma_wait3A_233] : memref<208x4096xf32, #tpu.memory_space<hbm>> -> memref<1x4096xf32, #tpu.memory_space<hbm>>
        %dma_wait3A_235 = tpu.memref_squeeze %dma_wait3A_234 : memref<1x4096xf32, #tpu.memory_space<hbm>> -> memref<4096xf32, #tpu.memory_space<hbm>>
        tpu.wait_dma2 semaphore(%run_scoped3A : memref<!tpu.dma_semaphore, #tpu.memory_space<semaphore_mem>>) src(%dma_wait3A_235 : memref<4096xf32, #tpu.memory_space<hbm>>) dst(%arg5 : memref<4096xf32, #tpu.memory_space<vmem>>)
        tpu.yield
      }) : () -> ()
      %add3A_216 = arith.constant 1 : i32
      %add3A_217 = arith.addi %select_n3A, %add3A_216 : i32
      "tpu.region"() ({
        %run_scoped3A = tpu.sem_alloc : memref<!tpu.dma_semaphore, #tpu.memory_space<semaphore_mem>>
        %dma_start3A_224 = arith.constant 0 : i32
        %dma_start3A_225 = tpu.memref_slice %arg2[%add3A_217, %dma_start3A_224] : memref<208x4096xf32, #tpu.memory_space<hbm>> -> memref<1x4096xf32, #tpu.memory_space<hbm>>
        %dma_start3A_226 = tpu.memref_squeeze %dma_start3A_225 : memref<1x4096xf32, #tpu.memory_space<hbm>> -> memref<4096xf32, #tpu.memory_space<hbm>>
        %dma_start3A_227 = arith.constant 0 : i32
        %dma_start3A_228 = tpu.memref_slice %arg2[%add3A_217, %dma_start3A_227] : memref<208x4096xf32, #tpu.memory_space<hbm>> -> memref<1x4096xf32, #tpu.memory_space<hbm>>
        %dma_start3A_229 = tpu.memref_squeeze %dma_start3A_228 : memref<1x4096xf32, #tpu.memory_space<hbm>> -> memref<4096xf32, #tpu.memory_space<hbm>>
        tpu.enqueue_dma source(%dma_start3A_229 : memref<4096xf32, #tpu.memory_space<hbm>>) target(%arg6 : memref<4096xf32, #tpu.memory_space<vmem>>) target_semaphore(%run_scoped3A : memref<!tpu.dma_semaphore, #tpu.memory_space<semaphore_mem>>)
        %dma_wait3A_230 = arith.constant 0 : i32
        %dma_wait3A_231 = tpu.memref_slice %arg2[%add3A_217, %dma_wait3A_230] : memref<208x4096xf32, #tpu.memory_space<hbm>> -> memref<1x4096xf32, #tpu.memory_space<hbm>>
        %dma_wait3A_232 = tpu.memref_squeeze %dma_wait3A_231 : memref<1x4096xf32, #tpu.memory_space<hbm>> -> memref<4096xf32, #tpu.memory_space<hbm>>
        %dma_wait3A_233 = arith.constant 0 : i32
        %dma_wait3A_234 = tpu.memref_slice %arg2[%add3A_217, %dma_wait3A_233] : memref<208x4096xf32, #tpu.memory_space<hbm>> -> memref<1x4096xf32, #tpu.memory_space<hbm>>
        %dma_wait3A_235 = tpu.memref_squeeze %dma_wait3A_234 : memref<1x4096xf32, #tpu.memory_space<hbm>> -> memref<4096xf32, #tpu.memory_space<hbm>>
        tpu.wait_dma2 semaphore(%run_scoped3A : memref<!tpu.dma_semaphore, #tpu.memory_space<semaphore_mem>>) src(%dma_wait3A_235 : memref<4096xf32, #tpu.memory_space<hbm>>) dst(%arg6 : memref<4096xf32, #tpu.memory_space<vmem>>)
        tpu.yield
      }) : () -> ()
      %scan3A_218 = arith.constant 0 : i32
      %scan3A_219 = arith.constant 0 : i32
      %scan3A_220 = arith.constant 256 : i32
      %scan3A_221 = arith.addi %scan3A_219, %scan3A_220 : i32
      %scan3A_222 = arith.constant 1 : i32
      scf.for %scan3A_224 = %scan3A_219 to %scan3A_221 step %scan3A_222  : i32 {
        %mul3A_225 = arith.constant 16 : i32
        %mul3A_226 = arith.muli %scan3A_224, %mul3A_225 : i32
        %multiple_of3A_227 = tpu.assume_multiple %mul3A_226, 16 : i32
        %get3A = arith.index_cast %multiple_of3A_227 : i32 to index
        %get3A_228 = tpu.vector_load %arg6[%get3A] {strides = array<i32>} : memref<4096xf32, #tpu.memory_space<vmem>>, vector<16xf32>,
        %get3A_229 = arith.index_cast %multiple_of3A_227 : i32 to index
        %get3A_230 = tpu.vector_load %arg5[%get3A_229] {strides = array<i32>} : memref<4096xf32, #tpu.memory_space<vmem>>, vector<16xf32>,
        %sub3A_231 = arith.subf %get3A_228, %get3A_230 : vector<16xf32>
        %mul3A_232 = arith.constant 1.000000e+02 : f32
        %mul3A_233 = vector.broadcast %mul3A_232 : f32 to vector<16xf32>
        %mul3A_234 = arith.mulf %sub3A_231, %mul3A_233 : vector<16xf32>
        %convert_element_type3A_235 = arith.fptosi %mul3A_234 : vector<16xf32> to vector<16xi32>
        %max3A = arith.constant 0 : i32
        %max3A_236 = vector.broadcast %max3A : i32 to vector<16xi32>
        %max3A_237 = arith.maxsi %convert_element_type3A_235, %max3A_236 : vector<16xi32>
        %min3A = arith.constant 100 : i32
        %min3A_238 = vector.broadcast %min3A : i32 to vector<16xi32>
        %min3A_239 = arith.minsi %max3A_237, %min3A_238 : vector<16xi32>
        %mul3A_240 = arith.constant 65 : i32
        %mul3A_241 = vector.broadcast %mul3A_240 : i32 to vector<16xi32>
        %mul3A_242 = arith.muli %min3A_239, %mul3A_241 : vector<16xi32>
        %swap3A = arith.index_cast %multiple_of3A_227 : i32 to index
        %swap3A_243 = tpu.vector_load %arg7[%swap3A] {strides = array<i32>} : memref<4096xi32, #tpu.memory_space<vmem>>, vector<16xi32>,
        tpu.vector_store %arg7[%swap3A], %mul3A_242 {strides = array<i32>} : memref<4096xi32, #tpu.memory_space<vmem>>, vector<16xi32>,
      }
      %scan3A_223 = arith.constant 256 : i32
    } else {
    }
    %scan3A = arith.constant 0 : i32
    %scan3A_103 = arith.constant 0 : i32
    %scan3A_104 = arith.constant 256 : i32
    %scan3A_105 = arith.addi %scan3A_103, %scan3A_104 : i32
    %scan3A_106 = arith.constant 1 : i32
    scf.for %scan3A_216 = %scan3A_103 to %scan3A_105 step %scan3A_106  : i32 {
      %mul3A_217 = arith.constant 16 : i32
      %mul3A_218 = arith.muli %scan3A_216, %mul3A_217 : i32
      %multiple_of3A_219 = tpu.assume_multiple %mul3A_218, 16 : i32
      %get3A = arith.index_cast %multiple_of3A_219 : i32 to index
      %get3A_220 = tpu.vector_load %arg7[%get3A] {strides = array<i32>} : memref<4096xi32, #tpu.memory_space<vmem>>, vector<16xi32>,
      %mul3A_221 = arith.constant 16 : i32
      %mul3A_222 = arith.muli %scan3A_216, %mul3A_221 : i32
      %add3A_223 = vector.broadcast %mul3A_222 : i32 to vector<16xi32>
      %add3A_224 = arith.addi %iota3A, %add3A_223 : vector<16xi32>
      %add3A_225 = arith.addi %get3A_220, %and3A_7 : vector<16xi32>
      %gather3A = tpu.memref_slice %arg8[%multiple_of3A] : memref<6568xf32, #tpu.memory_space<vmem>> -> memref<6512xf32, #tpu.memory_space<vmem>>
      %gather3A_226 = tpu.vector_load_idx %gather3A[%add3A_225] : memref<6512xf32, #tpu.memory_space<vmem>>[vector<16xi32>], vector<16xf32>,
      tpu.vector_store_idx %arg9[%and3A_7, %add3A_224], %gather3A_226 : memref<8x4096xf32, #tpu.memory_space<vmem>>[vector<16xi32>, vector<16xi32>], vector<16xf32>,
      %add3A_227 = arith.addi %get3A_220, %and3A_13 : vector<16xi32>
      %gather3A_228 = tpu.memref_slice %arg8[%multiple_of3A] : memref<6568xf32, #tpu.memory_space<vmem>> -> memref<6512xf32, #tpu.memory_space<vmem>>
      %gather3A_229 = tpu.vector_load_idx %gather3A_228[%add3A_227] : memref<6512xf32, #tpu.memory_space<vmem>>[vector<16xi32>], vector<16xf32>,
      tpu.vector_store_idx %arg9[%and3A_13, %add3A_224], %gather3A_229 : memref<8x4096xf32, #tpu.memory_space<vmem>>[vector<16xi32>, vector<16xi32>], vector<16xf32>,
      %add3A_230 = arith.addi %get3A_220, %and3A_19 : vector<16xi32>
      %gather3A_231 = tpu.memref_slice %arg8[%multiple_of3A] : memref<6568xf32, #tpu.memory_space<vmem>> -> memref<6512xf32, #tpu.memory_space<vmem>>
      %gather3A_232 = tpu.vector_load_idx %gather3A_231[%add3A_230] : memref<6512xf32, #tpu.memory_space<vmem>>[vector<16xi32>], vector<16xf32>,
      tpu.vector_store_idx %arg9[%and3A_19, %add3A_224], %gather3A_232 : memref<8x4096xf32, #tpu.memory_space<vmem>>[vector<16xi32>, vector<16xi32>], vector<16xf32>,
      %add3A_233 = arith.addi %get3A_220, %and3A_25 : vector<16xi32>
      %gather3A_234 = tpu.memref_slice %arg8[%multiple_of3A] : memref<6568xf32, #tpu.memory_space<vmem>> -> memref<6512xf32, #tpu.memory_space<vmem>>
      %gather3A_235 = tpu.vector_load_idx %gather3A_234[%add3A_233] : memref<6512xf32, #tpu.memory_space<vmem>>[vector<16xi32>], vector<16xf32>,
      tpu.vector_store_idx %arg9[%and3A_25, %add3A_224], %gather3A_235 : memref<8x4096xf32, #tpu.memory_space<vmem>>[vector<16xi32>, vector<16xi32>], vector<16xf32>,
      %add3A_236 = arith.addi %get3A_220, %and3A_31 : vector<16xi32>
      %gather3A_237 = tpu.memref_slice %arg8[%multiple_of3A] : memref<6568xf32, #tpu.memory_space<vmem>> -> memref<6512xf32, #tpu.memory_space<vmem>>
      %gather3A_238 = tpu.vector_load_idx %gather3A_237[%add3A_236] : memref<6512xf32, #tpu.memory_space<vmem>>[vector<16xi32>], vector<16xf32>,
      tpu.vector_store_idx %arg9[%and3A_31, %add3A_224], %gather3A_238 : memref<8x4096xf32, #tpu.memory_space<vmem>>[vector<16xi32>, vector<16xi32>], vector<16xf32>,
      %add3A_239 = arith.addi %get3A_220, %and3A_37 : vector<16xi32>
      %gather3A_240 = tpu.memref_slice %arg8[%multiple_of3A] : memref<6568xf32, #tpu.memory_space<vmem>> -> memref<6512xf32, #tpu.memory_space<vmem>>
      %gather3A_241 = tpu.vector_load_idx %gather3A_240[%add3A_239] : memref<6512xf32, #tpu.memory_space<vmem>>[vector<16xi32>], vector<16xf32>,
      tpu.vector_store_idx %arg9[%and3A_37, %add3A_224], %gather3A_241 : memref<8x4096xf32, #tpu.memory_space<vmem>>[vector<16xi32>, vector<16xi32>], vector<16xf32>,
      %add3A_242 = arith.addi %get3A_220, %and3A_43 : vector<16xi32>
      %gather3A_243 = tpu.memref_slice %arg8[%multiple_of3A] : memref<6568xf32, #tpu.memory_space<vmem>> -> memref<6512xf32, #tpu.memory_space<vmem>>
      %gather3A_244 = tpu.vector_load_idx %gather3A_243[%add3A_242] : memref<6512xf32, #tpu.memory_space<vmem>>[vector<16xi32>], vector<16xf32>,
      tpu.vector_store_idx %arg9[%and3A_43, %add3A_224], %gather3A_244 : memref<8x4096xf32, #tpu.memory_space<vmem>>[vector<16xi32>, vector<16xi32>], vector<16xf32>,
      %add3A_245 = arith.addi %get3A_220, %and3A_49 : vector<16xi32>
      %gather3A_246 = tpu.memref_slice %arg8[%multiple_of3A] : memref<6568xf32, #tpu.memory_space<vmem>> -> memref<6512xf32, #tpu.memory_space<vmem>>
      %gather3A_247 = tpu.vector_load_idx %gather3A_246[%add3A_245] : memref<6512xf32, #tpu.memory_space<vmem>>[vector<16xi32>], vector<16xf32>,
      tpu.vector_store_idx %arg9[%and3A_49, %add3A_224], %gather3A_247 : memref<8x4096xf32, #tpu.memory_space<vmem>>[vector<16xi32>, vector<16xi32>], vector<16xf32>,
    }
    %scan3A_107 = arith.constant 256 : i32
    %dma_start3A = arith.constant 0 : i32
    %dma_start3A_108 = tpu.memref_slice %arg4[%select_n3A, %multiple_of3A, %dma_start3A] : memref<200x64x4096xf32, #tpu.memory_space<hbm>> -> memref<1x8x4096xf32, #tpu.memory_space<hbm>>
    %dma_start3A_109 = tpu.memref_squeeze %dma_start3A_108 : memref<1x8x4096xf32, #tpu.memory_space<hbm>> -> memref<8x4096xf32, #tpu.memory_space<hbm>>
    %dma_start3A_110 = arith.constant 0 : i32
    %dma_start3A_111 = tpu.memref_slice %arg4[%select_n3A, %multiple_of3A, %dma_start3A_110] : memref<200x64x4096xf32, #tpu.memory_space<hbm>> -> memref<1x8x4096xf32, #tpu.memory_space<hbm>>
    %dma_start3A_112 = tpu.memref_squeeze %dma_start3A_111 : memref<1x8x4096xf32, #tpu.memory_space<hbm>> -> memref<8x4096xf32, #tpu.memory_space<hbm>>
    tpu.enqueue_dma source(%arg9 : memref<8x4096xf32, #tpu.memory_space<vmem>>) target(%dma_start3A_112 : memref<8x4096xf32, #tpu.memory_space<hbm>>) target_semaphore(%arg11 : memref<!tpu.dma_semaphore, #tpu.memory_space<semaphore_mem>>)
    %add3A_113 = arith.constant 1 : i32
    %add3A_114 = arith.addi %mul3A_2, %add3A_113 : i32
    %jit3A_115 = arith.constant 8 : i32
    %div3A_116 = arith.divsi %add3A_114, %jit3A_115 : i32
    %sign3A_117 = arith.constant 0 : i32
    %sign3A_118 = arith.cmpi sgt, %add3A_114, %sign3A_117 : i32
    %sign3A_119 = arith.extui %sign3A_118 : i1 to i32
    %sign3A_120 = arith.constant 0 : i32
    %sign3A_121 = arith.cmpi slt, %add3A_114, %sign3A_120 : i32
    %sign3A_122 = arith.extui %sign3A_121 : i1 to i32
    %sign3A_123 = arith.subi %sign3A_119, %sign3A_122 : i32
    %sign3A_124 = arith.constant 0 : i32
    %sign3A_125 = arith.cmpi sgt, %jit3A_115, %sign3A_124 : i32
    %sign3A_126 = arith.extui %sign3A_125 : i1 to i32
    %sign3A_127 = arith.constant 0 : i32
    %sign3A_128 = arith.cmpi slt, %jit3A_115, %sign3A_127 : i32
    %sign3A_129 = arith.extui %sign3A_128 : i1 to i32
    %sign3A_130 = arith.subi %sign3A_126, %sign3A_129 : i32
    %ne3A_131 = arith.cmpi ne, %sign3A_123, %sign3A_130 : i32
    %rem3A_132 = arith.remsi %add3A_114, %jit3A_115 : i32
    %ne3A_133 = arith.constant 0 : i32
    %ne3A_134 = arith.cmpi ne, %rem3A_132, %ne3A_133 : i32
    %and3A_135 = arith.andi %ne3A_131, %ne3A_134 : i1
    %sub3A_136 = arith.constant 1 : i32
    %sub3A_137 = arith.subi %div3A_116, %sub3A_136 : i32
    %select_n3A_138 = arith.select %and3A_135, %sub3A_137, %div3A_116 : i32
    %jit3A_139 = arith.constant 8 : i32
    %eq3A_140 = arith.constant 0 : i32
    %eq3A_141 = arith.cmpi eq, %jit3A_139, %eq3A_140 : i32
    %jit3A_142 = arith.constant 1 : i32
    %select_n3A_143 = arith.select %eq3A_141, %jit3A_142, %jit3A_139 : i32
    %rem3A_144 = arith.remsi %add3A_114, %select_n3A_143 : i32
    %ne3A_145 = arith.constant 0 : i32
    %ne3A_146 = arith.cmpi ne, %rem3A_144, %ne3A_145 : i32
    %lt3A_147 = arith.constant 0 : i32
    %lt3A_148 = arith.cmpi slt, %rem3A_144, %lt3A_147 : i32
    %lt3A_149 = arith.constant 0 : i32
    %lt3A_150 = arith.cmpi slt, %select_n3A_143, %lt3A_149 : i32
    %ne3A_151 = arith.xori %lt3A_148, %lt3A_150 : i1
    %and3A_152 = arith.andi %ne3A_151, %ne3A_146 : i1
    %add3A_153 = arith.addi %rem3A_144, %select_n3A_143 : i32
    %select_n3A_154 = arith.select %and3A_152, %add3A_153, %rem3A_144 : i32
    %mul3A_155 = arith.constant 8 : i32
    %mul3A_156 = arith.muli %select_n3A_154, %mul3A_155 : i32
    %multiple_of3A_157 = tpu.assume_multiple %mul3A_156, 8 : i32
    %eq3A_158 = arith.cmpi eq, %add3A_114, %mul3A_2 : i32
    %jit3A_159 = arith.constant 8 : i32
    %eq3A_160 = arith.constant 0 : i32
    %eq3A_161 = arith.cmpi eq, %jit3A_159, %eq3A_160 : i32
    %jit3A_162 = arith.constant 1 : i32
    %select_n3A_163 = arith.select %eq3A_161, %jit3A_162, %jit3A_159 : i32
    %rem3A_164 = arith.remsi %add3A_114, %select_n3A_163 : i32
    %ne3A_165 = arith.constant 0 : i32
    %ne3A_166 = arith.cmpi ne, %rem3A_164, %ne3A_165 : i32
    %lt3A_167 = arith.constant 0 : i32
    %lt3A_168 = arith.cmpi slt, %rem3A_164, %lt3A_167 : i32
    %lt3A_169 = arith.constant 0 : i32
    %lt3A_170 = arith.cmpi slt, %select_n3A_163, %lt3A_169 : i32
    %ne3A_171 = arith.xori %lt3A_168, %lt3A_170 : i1
    %and3A_172 = arith.andi %ne3A_171, %ne3A_166 : i1
    %add3A_173 = arith.addi %rem3A_164, %select_n3A_163 : i32
    %select_n3A_174 = arith.select %and3A_172, %add3A_173, %rem3A_164 : i32
    %eq3A_175 = arith.constant 0 : i32
    %eq3A_176 = arith.cmpi eq, %select_n3A_174, %eq3A_175 : i32
    %or3A_177 = arith.ori %eq3A_158, %eq3A_176 : i1
    %convert_element_type3A_178 = arith.extui %or3A_177 : i1 to i32
    %cond3A_179 = arith.constant 0 : i32
    %cond3A_180 = arith.cmpi ne, %convert_element_type3A_178, %cond3A_179 : i32
    scf.if %cond3A_180 {
      "tpu.region"() ({
        %run_scoped3A = tpu.sem_alloc : memref<!tpu.dma_semaphore, #tpu.memory_space<semaphore_mem>>
        %dma_start3A_224 = arith.constant 0 : i32
        %dma_start3A_225 = tpu.memref_slice %arg2[%select_n3A_138, %dma_start3A_224] : memref<208x4096xf32, #tpu.memory_space<hbm>> -> memref<1x4096xf32, #tpu.memory_space<hbm>>
        %dma_start3A_226 = tpu.memref_squeeze %dma_start3A_225 : memref<1x4096xf32, #tpu.memory_space<hbm>> -> memref<4096xf32, #tpu.memory_space<hbm>>
        %dma_start3A_227 = arith.constant 0 : i32
        %dma_start3A_228 = tpu.memref_slice %arg2[%select_n3A_138, %dma_start3A_227] : memref<208x4096xf32, #tpu.memory_space<hbm>> -> memref<1x4096xf32, #tpu.memory_space<hbm>>
        %dma_start3A_229 = tpu.memref_squeeze %dma_start3A_228 : memref<1x4096xf32, #tpu.memory_space<hbm>> -> memref<4096xf32, #tpu.memory_space<hbm>>
        tpu.enqueue_dma source(%dma_start3A_229 : memref<4096xf32, #tpu.memory_space<hbm>>) target(%arg5 : memref<4096xf32, #tpu.memory_space<vmem>>) target_semaphore(%run_scoped3A : memref<!tpu.dma_semaphore, #tpu.memory_space<semaphore_mem>>)
        %dma_wait3A_230 = arith.constant 0 : i32
        %dma_wait3A_231 = tpu.memref_slice %arg2[%select_n3A_138, %dma_wait3A_230] : memref<208x4096xf32, #tpu.memory_space<hbm>> -> memref<1x4096xf32, #tpu.memory_space<hbm>>
        %dma_wait3A_232 = tpu.memref_squeeze %dma_wait3A_231 : memref<1x4096xf32, #tpu.memory_space<hbm>> -> memref<4096xf32, #tpu.memory_space<hbm>>
        %dma_wait3A_233 = arith.constant 0 : i32
        %dma_wait3A_234 = tpu.memref_slice %arg2[%select_n3A_138, %dma_wait3A_233] : memref<208x4096xf32, #tpu.memory_space<hbm>> -> memref<1x4096xf32, #tpu.memory_space<hbm>>
        %dma_wait3A_235 = tpu.memref_squeeze %dma_wait3A_234 : memref<1x4096xf32, #tpu.memory_space<hbm>> -> memref<4096xf32, #tpu.memory_space<hbm>>
        tpu.wait_dma2 semaphore(%run_scoped3A : memref<!tpu.dma_semaphore, #tpu.memory_space<semaphore_mem>>) src(%dma_wait3A_235 : memref<4096xf32, #tpu.memory_space<hbm>>) dst(%arg5 : memref<4096xf32, #tpu.memory_space<vmem>>)
        tpu.yield
      }) : () -> ()
      %add3A_216 = arith.constant 1 : i32
      %add3A_217 = arith.addi %select_n3A_138, %add3A_216 : i32
      "tpu.region"() ({
        %run_scoped3A = tpu.sem_alloc : memref<!tpu.dma_semaphore, #tpu.memory_space<semaphore_mem>>
        %dma_start3A_224 = arith.constant 0 : i32
        %dma_start3A_225 = tpu.memref_slice %arg2[%add3A_217, %dma_start3A_224] : memref<208x4096xf32, #tpu.memory_space<hbm>> -> memref<1x4096xf32, #tpu.memory_space<hbm>>
        %dma_start3A_226 = tpu.memref_squeeze %dma_start3A_225 : memref<1x4096xf32, #tpu.memory_space<hbm>> -> memref<4096xf32, #tpu.memory_space<hbm>>
        %dma_start3A_227 = arith.constant 0 : i32
        %dma_start3A_228 = tpu.memref_slice %arg2[%add3A_217, %dma_start3A_227] : memref<208x4096xf32, #tpu.memory_space<hbm>> -> memref<1x4096xf32, #tpu.memory_space<hbm>>
        %dma_start3A_229 = tpu.memref_squeeze %dma_start3A_228 : memref<1x4096xf32, #tpu.memory_space<hbm>> -> memref<4096xf32, #tpu.memory_space<hbm>>
        tpu.enqueue_dma source(%dma_start3A_229 : memref<4096xf32, #tpu.memory_space<hbm>>) target(%arg6 : memref<4096xf32, #tpu.memory_space<vmem>>) target_semaphore(%run_scoped3A : memref<!tpu.dma_semaphore, #tpu.memory_space<semaphore_mem>>)
        %dma_wait3A_230 = arith.constant 0 : i32
        %dma_wait3A_231 = tpu.memref_slice %arg2[%add3A_217, %dma_wait3A_230] : memref<208x4096xf32, #tpu.memory_space<hbm>> -> memref<1x4096xf32, #tpu.memory_space<hbm>>
        %dma_wait3A_232 = tpu.memref_squeeze %dma_wait3A_231 : memref<1x4096xf32, #tpu.memory_space<hbm>> -> memref<4096xf32, #tpu.memory_space<hbm>>
        %dma_wait3A_233 = arith.constant 0 : i32
        %dma_wait3A_234 = tpu.memref_slice %arg2[%add3A_217, %dma_wait3A_233] : memref<208x4096xf32, #tpu.memory_space<hbm>> -> memref<1x4096xf32, #tpu.memory_space<hbm>>
        %dma_wait3A_235 = tpu.memref_squeeze %dma_wait3A_234 : memref<1x4096xf32, #tpu.memory_space<hbm>> -> memref<4096xf32, #tpu.memory_space<hbm>>
        tpu.wait_dma2 semaphore(%run_scoped3A : memref<!tpu.dma_semaphore, #tpu.memory_space<semaphore_mem>>) src(%dma_wait3A_235 : memref<4096xf32, #tpu.memory_space<hbm>>) dst(%arg6 : memref<4096xf32, #tpu.memory_space<vmem>>)
        tpu.yield
      }) : () -> ()
      %scan3A_218 = arith.constant 0 : i32
      %scan3A_219 = arith.constant 0 : i32
      %scan3A_220 = arith.constant 256 : i32
      %scan3A_221 = arith.addi %scan3A_219, %scan3A_220 : i32
      %scan3A_222 = arith.constant 1 : i32
      scf.for %scan3A_224 = %scan3A_219 to %scan3A_221 step %scan3A_222  : i32 {
        %mul3A_225 = arith.constant 16 : i32
        %mul3A_226 = arith.muli %scan3A_224, %mul3A_225 : i32
        %multiple_of3A_227 = tpu.assume_multiple %mul3A_226, 16 : i32
        %get3A = arith.index_cast %multiple_of3A_227 : i32 to index
        %get3A_228 = tpu.vector_load %arg6[%get3A] {strides = array<i32>} : memref<4096xf32, #tpu.memory_space<vmem>>, vector<16xf32>,
        %get3A_229 = arith.index_cast %multiple_of3A_227 : i32 to index
        %get3A_230 = tpu.vector_load %arg5[%get3A_229] {strides = array<i32>} : memref<4096xf32, #tpu.memory_space<vmem>>, vector<16xf32>,
        %sub3A_231 = arith.subf %get3A_228, %get3A_230 : vector<16xf32>
        %mul3A_232 = arith.constant 1.000000e+02 : f32
        %mul3A_233 = vector.broadcast %mul3A_232 : f32 to vector<16xf32>
        %mul3A_234 = arith.mulf %sub3A_231, %mul3A_233 : vector<16xf32>
        %convert_element_type3A_235 = arith.fptosi %mul3A_234 : vector<16xf32> to vector<16xi32>
        %max3A = arith.constant 0 : i32
        %max3A_236 = vector.broadcast %max3A : i32 to vector<16xi32>
        %max3A_237 = arith.maxsi %convert_element_type3A_235, %max3A_236 : vector<16xi32>
        %min3A = arith.constant 100 : i32
        %min3A_238 = vector.broadcast %min3A : i32 to vector<16xi32>
        %min3A_239 = arith.minsi %max3A_237, %min3A_238 : vector<16xi32>
        %mul3A_240 = arith.constant 65 : i32
        %mul3A_241 = vector.broadcast %mul3A_240 : i32 to vector<16xi32>
        %mul3A_242 = arith.muli %min3A_239, %mul3A_241 : vector<16xi32>
        %swap3A = arith.index_cast %multiple_of3A_227 : i32 to index
        %swap3A_243 = tpu.vector_load %arg7[%swap3A] {strides = array<i32>} : memref<4096xi32, #tpu.memory_space<vmem>>, vector<16xi32>,
        tpu.vector_store %arg7[%swap3A], %mul3A_242 {strides = array<i32>} : memref<4096xi32, #tpu.memory_space<vmem>>, vector<16xi32>,
      }
      %scan3A_223 = arith.constant 256 : i32
    } else {
    }
    %scan3A_181 = arith.constant 0 : i32
    %scan3A_182 = arith.constant 0 : i32
    %scan3A_183 = arith.constant 256 : i32
    %scan3A_184 = arith.addi %scan3A_182, %scan3A_183 : i32
    %scan3A_185 = arith.constant 1 : i32
    scf.for %scan3A_216 = %scan3A_182 to %scan3A_184 step %scan3A_185  : i32 {
      %mul3A_217 = arith.constant 16 : i32
      %mul3A_218 = arith.muli %scan3A_216, %mul3A_217 : i32
      %multiple_of3A_219 = tpu.assume_multiple %mul3A_218, 16 : i32
      %get3A = arith.index_cast %multiple_of3A_219 : i32 to index
      %get3A_220 = tpu.vector_load %arg7[%get3A] {strides = array<i32>} : memref<4096xi32, #tpu.memory_space<vmem>>, vector<16xi32>,
      %mul3A_221 = arith.constant 16 : i32
      %mul3A_222 = arith.muli %scan3A_216, %mul3A_221 : i32
      %add3A_223 = vector.broadcast %mul3A_222 : i32 to vector<16xi32>
      %add3A_224 = arith.addi %iota3A, %add3A_223 : vector<16xi32>
      %add3A_225 = arith.addi %get3A_220, %and3A_7 : vector<16xi32>
      %gather3A = tpu.memref_slice %arg8[%multiple_of3A_157] : memref<6568xf32, #tpu.memory_space<vmem>> -> memref<6512xf32, #tpu.memory_space<vmem>>
      %gather3A_226 = tpu.vector_load_idx %gather3A[%add3A_225] : memref<6512xf32, #tpu.memory_space<vmem>>[vector<16xi32>], vector<16xf32>,
      tpu.vector_store_idx %arg10[%and3A_7, %add3A_224], %gather3A_226 : memref<8x4096xf32, #tpu.memory_space<vmem>>[vector<16xi32>, vector<16xi32>], vector<16xf32>,
      %add3A_227 = arith.addi %get3A_220, %and3A_13 : vector<16xi32>
      %gather3A_228 = tpu.memref_slice %arg8[%multiple_of3A_157] : memref<6568xf32, #tpu.memory_space<vmem>> -> memref<6512xf32, #tpu.memory_space<vmem>>
      %gather3A_229 = tpu.vector_load_idx %gather3A_228[%add3A_227] : memref<6512xf32, #tpu.memory_space<vmem>>[vector<16xi32>], vector<16xf32>,
      tpu.vector_store_idx %arg10[%and3A_13, %add3A_224], %gather3A_229 : memref<8x4096xf32, #tpu.memory_space<vmem>>[vector<16xi32>, vector<16xi32>], vector<16xf32>,
      %add3A_230 = arith.addi %get3A_220, %and3A_19 : vector<16xi32>
      %gather3A_231 = tpu.memref_slice %arg8[%multiple_of3A_157] : memref<6568xf32, #tpu.memory_space<vmem>> -> memref<6512xf32, #tpu.memory_space<vmem>>
      %gather3A_232 = tpu.vector_load_idx %gather3A_231[%add3A_230] : memref<6512xf32, #tpu.memory_space<vmem>>[vector<16xi32>], vector<16xf32>,
      tpu.vector_store_idx %arg10[%and3A_19, %add3A_224], %gather3A_232 : memref<8x4096xf32, #tpu.memory_space<vmem>>[vector<16xi32>, vector<16xi32>], vector<16xf32>,
      %add3A_233 = arith.addi %get3A_220, %and3A_25 : vector<16xi32>
      %gather3A_234 = tpu.memref_slice %arg8[%multiple_of3A_157] : memref<6568xf32, #tpu.memory_space<vmem>> -> memref<6512xf32, #tpu.memory_space<vmem>>
      %gather3A_235 = tpu.vector_load_idx %gather3A_234[%add3A_233] : memref<6512xf32, #tpu.memory_space<vmem>>[vector<16xi32>], vector<16xf32>,
      tpu.vector_store_idx %arg10[%and3A_25, %add3A_224], %gather3A_235 : memref<8x4096xf32, #tpu.memory_space<vmem>>[vector<16xi32>, vector<16xi32>], vector<16xf32>,
      %add3A_236 = arith.addi %get3A_220, %and3A_31 : vector<16xi32>
      %gather3A_237 = tpu.memref_slice %arg8[%multiple_of3A_157] : memref<6568xf32, #tpu.memory_space<vmem>> -> memref<6512xf32, #tpu.memory_space<vmem>>
      %gather3A_238 = tpu.vector_load_idx %gather3A_237[%add3A_236] : memref<6512xf32, #tpu.memory_space<vmem>>[vector<16xi32>], vector<16xf32>,
      tpu.vector_store_idx %arg10[%and3A_31, %add3A_224], %gather3A_238 : memref<8x4096xf32, #tpu.memory_space<vmem>>[vector<16xi32>, vector<16xi32>], vector<16xf32>,
      %add3A_239 = arith.addi %get3A_220, %and3A_37 : vector<16xi32>
      %gather3A_240 = tpu.memref_slice %arg8[%multiple_of3A_157] : memref<6568xf32, #tpu.memory_space<vmem>> -> memref<6512xf32, #tpu.memory_space<vmem>>
      %gather3A_241 = tpu.vector_load_idx %gather3A_240[%add3A_239] : memref<6512xf32, #tpu.memory_space<vmem>>[vector<16xi32>], vector<16xf32>,
      tpu.vector_store_idx %arg10[%and3A_37, %add3A_224], %gather3A_241 : memref<8x4096xf32, #tpu.memory_space<vmem>>[vector<16xi32>, vector<16xi32>], vector<16xf32>,
      %add3A_242 = arith.addi %get3A_220, %and3A_43 : vector<16xi32>
      %gather3A_243 = tpu.memref_slice %arg8[%multiple_of3A_157] : memref<6568xf32, #tpu.memory_space<vmem>> -> memref<6512xf32, #tpu.memory_space<vmem>>
      %gather3A_244 = tpu.vector_load_idx %gather3A_243[%add3A_242] : memref<6512xf32, #tpu.memory_space<vmem>>[vector<16xi32>], vector<16xf32>,
      tpu.vector_store_idx %arg10[%and3A_43, %add3A_224], %gather3A_244 : memref<8x4096xf32, #tpu.memory_space<vmem>>[vector<16xi32>, vector<16xi32>], vector<16xf32>,
      %add3A_245 = arith.addi %get3A_220, %and3A_49 : vector<16xi32>
      %gather3A_246 = tpu.memref_slice %arg8[%multiple_of3A_157] : memref<6568xf32, #tpu.memory_space<vmem>> -> memref<6512xf32, #tpu.memory_space<vmem>>
      %gather3A_247 = tpu.vector_load_idx %gather3A_246[%add3A_245] : memref<6512xf32, #tpu.memory_space<vmem>>[vector<16xi32>], vector<16xf32>,
      tpu.vector_store_idx %arg10[%and3A_49, %add3A_224], %gather3A_247 : memref<8x4096xf32, #tpu.memory_space<vmem>>[vector<16xi32>, vector<16xi32>], vector<16xf32>,
    }
    %scan3A_186 = arith.constant 256 : i32
    %dma_start3A_187 = arith.constant 0 : i32
    %dma_start3A_188 = tpu.memref_slice %arg4[%select_n3A_138, %multiple_of3A_157, %dma_start3A_187] : memref<200x64x4096xf32, #tpu.memory_space<hbm>> -> memref<1x8x4096xf32, #tpu.memory_space<hbm>>
    %dma_start3A_189 = tpu.memref_squeeze %dma_start3A_188 : memref<1x8x4096xf32, #tpu.memory_space<hbm>> -> memref<8x4096xf32, #tpu.memory_space<hbm>>
    %dma_start3A_190 = arith.constant 0 : i32
    %dma_start3A_191 = tpu.memref_slice %arg4[%select_n3A_138, %multiple_of3A_157, %dma_start3A_190] : memref<200x64x4096xf32, #tpu.memory_space<hbm>> -> memref<1x8x4096xf32, #tpu.memory_space<hbm>>
    %dma_start3A_192 = tpu.memref_squeeze %dma_start3A_191 : memref<1x8x4096xf32, #tpu.memory_space<hbm>> -> memref<8x4096xf32, #tpu.memory_space<hbm>>
    tpu.enqueue_dma source(%arg10 : memref<8x4096xf32, #tpu.memory_space<vmem>>) target(%dma_start3A_192 : memref<8x4096xf32, #tpu.memory_space<hbm>>) target_semaphore(%arg12 : memref<!tpu.dma_semaphore, #tpu.memory_space<semaphore_mem>>)
    %scan3A_193 = arith.constant 0 : i32
    %scan3A_194 = arith.constant 1 : i32
    %scan3A_195 = arith.constant 24 : i32
    %scan3A_196 = arith.addi %scan3A_194, %scan3A_195 : i32
    %scan3A_197 = arith.constant 1 : i32
    scf.for %scan3A_216 = %scan3A_194 to %scan3A_196 step %scan3A_197  : i32 {
      %mul3A_217 = arith.constant 2 : i32
      %mul3A_218 = arith.muli %mul3A_217, %scan3A_216 : i32
      %add3A_219 = arith.addi %mul3A_2, %mul3A_218 : i32
      %dma_wait3A_220 = arith.constant 0 : i32
      %dma_wait3A_221 = arith.constant 0 : i32
      %dma_wait3A_222 = arith.constant 0 : i32
      %dma_wait3A_223 = tpu.memref_slice %arg4[%dma_wait3A_220, %dma_wait3A_221, %dma_wait3A_222] : memref<200x64x4096xf32, #tpu.memory_space<hbm>> -> memref<1x8x4096xf32, #tpu.memory_space<hbm>>
      %dma_wait3A_224 = tpu.memref_squeeze %dma_wait3A_223 : memref<1x8x4096xf32, #tpu.memory_space<hbm>> -> memref<8x4096xf32, #tpu.memory_space<hbm>>
      %dma_wait3A_225 = arith.constant 0 : i32
      %dma_wait3A_226 = arith.constant 0 : i32
      %dma_wait3A_227 = tpu.memref_slice %arg4[%dma_wait3A_220, %dma_wait3A_225, %dma_wait3A_226] : memref<200x64x4096xf32, #tpu.memory_space<hbm>> -> memref<1x8x4096xf32, #tpu.memory_space<hbm>>
      %dma_wait3A_228 = tpu.memref_squeeze %dma_wait3A_227 : memref<1x8x4096xf32, #tpu.memory_space<hbm>> -> memref<8x4096xf32, #tpu.memory_space<hbm>>
      tpu.wait_dma2 semaphore(%arg11 : memref<!tpu.dma_semaphore, #tpu.memory_space<semaphore_mem>>) src(%arg9 : memref<8x4096xf32, #tpu.memory_space<vmem>>) dst(%dma_wait3A_228 : memref<8x4096xf32, #tpu.memory_space<hbm>>)
      %jit3A_229 = arith.constant 8 : i32
      %div3A_230 = arith.divsi %add3A_219, %jit3A_229 : i32
      %sign3A_231 = arith.constant 0 : i32
      %sign3A_232 = arith.cmpi sgt, %add3A_219, %sign3A_231 : i32
      %sign3A_233 = arith.extui %sign3A_232 : i1 to i32
      %sign3A_234 = arith.constant 0 : i32
      %sign3A_235 = arith.cmpi slt, %add3A_219, %sign3A_234 : i32
      %sign3A_236 = arith.extui %sign3A_235 : i1 to i32
      %sign3A_237 = arith.subi %sign3A_233, %sign3A_236 : i32
      %sign3A_238 = arith.constant 0 : i32
      %sign3A_239 = arith.cmpi sgt, %jit3A_229, %sign3A_238 : i32
      %sign3A_240 = arith.extui %sign3A_239 : i1 to i32
      %sign3A_241 = arith.constant 0 : i32
      %sign3A_242 = arith.cmpi slt, %jit3A_229, %sign3A_241 : i32
      %sign3A_243 = arith.extui %sign3A_242 : i1 to i32
      %sign3A_244 = arith.subi %sign3A_240, %sign3A_243 : i32
      %ne3A_245 = arith.cmpi ne, %sign3A_237, %sign3A_244 : i32
      %rem3A_246 = arith.remsi %add3A_219, %jit3A_229 : i32
      %ne3A_247 = arith.constant 0 : i32
      %ne3A_248 = arith.cmpi ne, %rem3A_246, %ne3A_247 : i32
      %and3A_249 = arith.andi %ne3A_245, %ne3A_248 : i1
      %sub3A_250 = arith.constant 1 : i32
      %sub3A_251 = arith.subi %div3A_230, %sub3A_250 : i32
      %select_n3A_252 = arith.select %and3A_249, %sub3A_251, %div3A_230 : i32
      %jit3A_253 = arith.constant 8 : i32
      %eq3A_254 = arith.constant 0 : i32
      %eq3A_255 = arith.cmpi eq, %jit3A_253, %eq3A_254 : i32
      %jit3A_256 = arith.constant 1 : i32
      %select_n3A_257 = arith.select %eq3A_255, %jit3A_256, %jit3A_253 : i32
      %rem3A_258 = arith.remsi %add3A_219, %select_n3A_257 : i32
      %ne3A_259 = arith.constant 0 : i32
      %ne3A_260 = arith.cmpi ne, %rem3A_258, %ne3A_259 : i32
      %lt3A_261 = arith.constant 0 : i32
      %lt3A_262 = arith.cmpi slt, %rem3A_258, %lt3A_261 : i32
      %lt3A_263 = arith.constant 0 : i32
      %lt3A_264 = arith.cmpi slt, %select_n3A_257, %lt3A_263 : i32
      %ne3A_265 = arith.xori %lt3A_262, %lt3A_264 : i1
      %and3A_266 = arith.andi %ne3A_265, %ne3A_260 : i1
      %add3A_267 = arith.addi %rem3A_258, %select_n3A_257 : i32
      %select_n3A_268 = arith.select %and3A_266, %add3A_267, %rem3A_258 : i32
      %mul3A_269 = arith.constant 8 : i32
      %mul3A_270 = arith.muli %select_n3A_268, %mul3A_269 : i32
      %multiple_of3A_271 = tpu.assume_multiple %mul3A_270, 8 : i32
      %eq3A_272 = arith.cmpi eq, %add3A_219, %mul3A_2 : i32
      %jit3A_273 = arith.constant 8 : i32
      %eq3A_274 = arith.constant 0 : i32
      %eq3A_275 = arith.cmpi eq, %jit3A_273, %eq3A_274 : i32
      %jit3A_276 = arith.constant 1 : i32
      %select_n3A_277 = arith.select %eq3A_275, %jit3A_276, %jit3A_273 : i32
      %rem3A_278 = arith.remsi %add3A_219, %select_n3A_277 : i32
      %ne3A_279 = arith.constant 0 : i32
      %ne3A_280 = arith.cmpi ne, %rem3A_278, %ne3A_279 : i32
      %lt3A_281 = arith.constant 0 : i32
      %lt3A_282 = arith.cmpi slt, %rem3A_278, %lt3A_281 : i32
      %lt3A_283 = arith.constant 0 : i32
      %lt3A_284 = arith.cmpi slt, %select_n3A_277, %lt3A_283 : i32
      %ne3A_285 = arith.xori %lt3A_282, %lt3A_284 : i1
      %and3A_286 = arith.andi %ne3A_285, %ne3A_280 : i1
      %add3A_287 = arith.addi %rem3A_278, %select_n3A_277 : i32
      %select_n3A_288 = arith.select %and3A_286, %add3A_287, %rem3A_278 : i32
      %eq3A_289 = arith.constant 0 : i32
      %eq3A_290 = arith.cmpi eq, %select_n3A_288, %eq3A_289 : i32
      %or3A_291 = arith.ori %eq3A_272, %eq3A_290 : i1
      %convert_element_type3A_292 = arith.extui %or3A_291 : i1 to i32
      %cond3A_293 = arith.constant 0 : i32
      %cond3A_294 = arith.cmpi ne, %convert_element_type3A_292, %cond3A_293 : i32
      scf.if %cond3A_294 {
        "tpu.region"() ({
          %run_scoped3A = tpu.sem_alloc : memref<!tpu.dma_semaphore, #tpu.memory_space<semaphore_mem>>
          %dma_start3A_404 = arith.constant 0 : i32
          %dma_start3A_405 = tpu.memref_slice %arg2[%select_n3A_252, %dma_start3A_404] : memref<208x4096xf32, #tpu.memory_space<hbm>> -> memref<1x4096xf32, #tpu.memory_space<hbm>>
          %dma_start3A_406 = tpu.memref_squeeze %dma_start3A_405 : memref<1x4096xf32, #tpu.memory_space<hbm>> -> memref<4096xf32, #tpu.memory_space<hbm>>
          %dma_start3A_407 = arith.constant 0 : i32
          %dma_start3A_408 = tpu.memref_slice %arg2[%select_n3A_252, %dma_start3A_407] : memref<208x4096xf32, #tpu.memory_space<hbm>> -> memref<1x4096xf32, #tpu.memory_space<hbm>>
          %dma_start3A_409 = tpu.memref_squeeze %dma_start3A_408 : memref<1x4096xf32, #tpu.memory_space<hbm>> -> memref<4096xf32, #tpu.memory_space<hbm>>
          tpu.enqueue_dma source(%dma_start3A_409 : memref<4096xf32, #tpu.memory_space<hbm>>) target(%arg5 : memref<4096xf32, #tpu.memory_space<vmem>>) target_semaphore(%run_scoped3A : memref<!tpu.dma_semaphore, #tpu.memory_space<semaphore_mem>>)
          %dma_wait3A_410 = arith.constant 0 : i32
          %dma_wait3A_411 = tpu.memref_slice %arg2[%select_n3A_252, %dma_wait3A_410] : memref<208x4096xf32, #tpu.memory_space<hbm>> -> memref<1x4096xf32, #tpu.memory_space<hbm>>
          %dma_wait3A_412 = tpu.memref_squeeze %dma_wait3A_411 : memref<1x4096xf32, #tpu.memory_space<hbm>> -> memref<4096xf32, #tpu.memory_space<hbm>>
          %dma_wait3A_413 = arith.constant 0 : i32
          %dma_wait3A_414 = tpu.memref_slice %arg2[%select_n3A_252, %dma_wait3A_413] : memref<208x4096xf32, #tpu.memory_space<hbm>> -> memref<1x4096xf32, #tpu.memory_space<hbm>>
          %dma_wait3A_415 = tpu.memref_squeeze %dma_wait3A_414 : memref<1x4096xf32, #tpu.memory_space<hbm>> -> memref<4096xf32, #tpu.memory_space<hbm>>
          tpu.wait_dma2 semaphore(%run_scoped3A : memref<!tpu.dma_semaphore, #tpu.memory_space<semaphore_mem>>) src(%dma_wait3A_415 : memref<4096xf32, #tpu.memory_space<hbm>>) dst(%arg5 : memref<4096xf32, #tpu.memory_space<vmem>>)
          tpu.yield
        }) : () -> ()
        %add3A_396 = arith.constant 1 : i32
        %add3A_397 = arith.addi %select_n3A_252, %add3A_396 : i32
        "tpu.region"() ({
          %run_scoped3A = tpu.sem_alloc : memref<!tpu.dma_semaphore, #tpu.memory_space<semaphore_mem>>
          %dma_start3A_404 = arith.constant 0 : i32
          %dma_start3A_405 = tpu.memref_slice %arg2[%add3A_397, %dma_start3A_404] : memref<208x4096xf32, #tpu.memory_space<hbm>> -> memref<1x4096xf32, #tpu.memory_space<hbm>>
          %dma_start3A_406 = tpu.memref_squeeze %dma_start3A_405 : memref<1x4096xf32, #tpu.memory_space<hbm>> -> memref<4096xf32, #tpu.memory_space<hbm>>
          %dma_start3A_407 = arith.constant 0 : i32
          %dma_start3A_408 = tpu.memref_slice %arg2[%add3A_397, %dma_start3A_407] : memref<208x4096xf32, #tpu.memory_space<hbm>> -> memref<1x4096xf32, #tpu.memory_space<hbm>>
          %dma_start3A_409 = tpu.memref_squeeze %dma_start3A_408 : memref<1x4096xf32, #tpu.memory_space<hbm>> -> memref<4096xf32, #tpu.memory_space<hbm>>
          tpu.enqueue_dma source(%dma_start3A_409 : memref<4096xf32, #tpu.memory_space<hbm>>) target(%arg6 : memref<4096xf32, #tpu.memory_space<vmem>>) target_semaphore(%run_scoped3A : memref<!tpu.dma_semaphore, #tpu.memory_space<semaphore_mem>>)
          %dma_wait3A_410 = arith.constant 0 : i32
          %dma_wait3A_411 = tpu.memref_slice %arg2[%add3A_397, %dma_wait3A_410] : memref<208x4096xf32, #tpu.memory_space<hbm>> -> memref<1x4096xf32, #tpu.memory_space<hbm>>
          %dma_wait3A_412 = tpu.memref_squeeze %dma_wait3A_411 : memref<1x4096xf32, #tpu.memory_space<hbm>> -> memref<4096xf32, #tpu.memory_space<hbm>>
          %dma_wait3A_413 = arith.constant 0 : i32
          %dma_wait3A_414 = tpu.memref_slice %arg2[%add3A_397, %dma_wait3A_413] : memref<208x4096xf32, #tpu.memory_space<hbm>> -> memref<1x4096xf32, #tpu.memory_space<hbm>>
          %dma_wait3A_415 = tpu.memref_squeeze %dma_wait3A_414 : memref<1x4096xf32, #tpu.memory_space<hbm>> -> memref<4096xf32, #tpu.memory_space<hbm>>
          tpu.wait_dma2 semaphore(%run_scoped3A : memref<!tpu.dma_semaphore, #tpu.memory_space<semaphore_mem>>) src(%dma_wait3A_415 : memref<4096xf32, #tpu.memory_space<hbm>>) dst(%arg6 : memref<4096xf32, #tpu.memory_space<vmem>>)
          tpu.yield
        }) : () -> ()
        %scan3A_398 = arith.constant 0 : i32
        %scan3A_399 = arith.constant 0 : i32
        %scan3A_400 = arith.constant 256 : i32
        %scan3A_401 = arith.addi %scan3A_399, %scan3A_400 : i32
        %scan3A_402 = arith.constant 1 : i32
        scf.for %scan3A_404 = %scan3A_399 to %scan3A_401 step %scan3A_402  : i32 {
          %mul3A_405 = arith.constant 16 : i32
          %mul3A_406 = arith.muli %scan3A_404, %mul3A_405 : i32
          %multiple_of3A_407 = tpu.assume_multiple %mul3A_406, 16 : i32
          %get3A = arith.index_cast %multiple_of3A_407 : i32 to index
          %get3A_408 = tpu.vector_load %arg6[%get3A] {strides = array<i32>} : memref<4096xf32, #tpu.memory_space<vmem>>, vector<16xf32>,
          %get3A_409 = arith.index_cast %multiple_of3A_407 : i32 to index
          %get3A_410 = tpu.vector_load %arg5[%get3A_409] {strides = array<i32>} : memref<4096xf32, #tpu.memory_space<vmem>>, vector<16xf32>,
          %sub3A_411 = arith.subf %get3A_408, %get3A_410 : vector<16xf32>
          %mul3A_412 = arith.constant 1.000000e+02 : f32
          %mul3A_413 = vector.broadcast %mul3A_412 : f32 to vector<16xf32>
          %mul3A_414 = arith.mulf %sub3A_411, %mul3A_413 : vector<16xf32>
          %convert_element_type3A_415 = arith.fptosi %mul3A_414 : vector<16xf32> to vector<16xi32>
          %max3A = arith.constant 0 : i32
          %max3A_416 = vector.broadcast %max3A : i32 to vector<16xi32>
          %max3A_417 = arith.maxsi %convert_element_type3A_415, %max3A_416 : vector<16xi32>
          %min3A = arith.constant 100 : i32
          %min3A_418 = vector.broadcast %min3A : i32 to vector<16xi32>
          %min3A_419 = arith.minsi %max3A_417, %min3A_418 : vector<16xi32>
          %mul3A_420 = arith.constant 65 : i32
          %mul3A_421 = vector.broadcast %mul3A_420 : i32 to vector<16xi32>
          %mul3A_422 = arith.muli %min3A_419, %mul3A_421 : vector<16xi32>
          %swap3A = arith.index_cast %multiple_of3A_407 : i32 to index
          %swap3A_423 = tpu.vector_load %arg7[%swap3A] {strides = array<i32>} : memref<4096xi32, #tpu.memory_space<vmem>>, vector<16xi32>,
          tpu.vector_store %arg7[%swap3A], %mul3A_422 {strides = array<i32>} : memref<4096xi32, #tpu.memory_space<vmem>>, vector<16xi32>,
        }
        %scan3A_403 = arith.constant 256 : i32
      } else {
      }
      %scan3A_295 = arith.constant 0 : i32
      %scan3A_296 = arith.constant 0 : i32
      %scan3A_297 = arith.constant 256 : i32
      %scan3A_298 = arith.addi %scan3A_296, %scan3A_297 : i32
      %scan3A_299 = arith.constant 1 : i32
      scf.for %scan3A_396 = %scan3A_296 to %scan3A_298 step %scan3A_299  : i32 {
        %mul3A_397 = arith.constant 16 : i32
        %mul3A_398 = arith.muli %scan3A_396, %mul3A_397 : i32
        %multiple_of3A_399 = tpu.assume_multiple %mul3A_398, 16 : i32
        %get3A = arith.index_cast %multiple_of3A_399 : i32 to index
        %get3A_400 = tpu.vector_load %arg7[%get3A] {strides = array<i32>} : memref<4096xi32, #tpu.memory_space<vmem>>, vector<16xi32>,
        %mul3A_401 = arith.constant 16 : i32
        %mul3A_402 = arith.muli %scan3A_396, %mul3A_401 : i32
        %add3A_403 = vector.broadcast %mul3A_402 : i32 to vector<16xi32>
        %add3A_404 = arith.addi %iota3A, %add3A_403 : vector<16xi32>
        %add3A_405 = arith.addi %get3A_400, %and3A_7 : vector<16xi32>
        %gather3A = tpu.memref_slice %arg8[%multiple_of3A_271] : memref<6568xf32, #tpu.memory_space<vmem>> -> memref<6512xf32, #tpu.memory_space<vmem>>
        %gather3A_406 = tpu.vector_load_idx %gather3A[%add3A_405] : memref<6512xf32, #tpu.memory_space<vmem>>[vector<16xi32>], vector<16xf32>,
        tpu.vector_store_idx %arg9[%and3A_7, %add3A_404], %gather3A_406 : memref<8x4096xf32, #tpu.memory_space<vmem>>[vector<16xi32>, vector<16xi32>], vector<16xf32>,
        %add3A_407 = arith.addi %get3A_400, %and3A_13 : vector<16xi32>
        %gather3A_408 = tpu.memref_slice %arg8[%multiple_of3A_271] : memref<6568xf32, #tpu.memory_space<vmem>> -> memref<6512xf32, #tpu.memory_space<vmem>>
        %gather3A_409 = tpu.vector_load_idx %gather3A_408[%add3A_407] : memref<6512xf32, #tpu.memory_space<vmem>>[vector<16xi32>], vector<16xf32>,
        tpu.vector_store_idx %arg9[%and3A_13, %add3A_404], %gather3A_409 : memref<8x4096xf32, #tpu.memory_space<vmem>>[vector<16xi32>, vector<16xi32>], vector<16xf32>,
        %add3A_410 = arith.addi %get3A_400, %and3A_19 : vector<16xi32>
        %gather3A_411 = tpu.memref_slice %arg8[%multiple_of3A_271] : memref<6568xf32, #tpu.memory_space<vmem>> -> memref<6512xf32, #tpu.memory_space<vmem>>
        %gather3A_412 = tpu.vector_load_idx %gather3A_411[%add3A_410] : memref<6512xf32, #tpu.memory_space<vmem>>[vector<16xi32>], vector<16xf32>,
        tpu.vector_store_idx %arg9[%and3A_19, %add3A_404], %gather3A_412 : memref<8x4096xf32, #tpu.memory_space<vmem>>[vector<16xi32>, vector<16xi32>], vector<16xf32>,
        %add3A_413 = arith.addi %get3A_400, %and3A_25 : vector<16xi32>
        %gather3A_414 = tpu.memref_slice %arg8[%multiple_of3A_271] : memref<6568xf32, #tpu.memory_space<vmem>> -> memref<6512xf32, #tpu.memory_space<vmem>>
        %gather3A_415 = tpu.vector_load_idx %gather3A_414[%add3A_413] : memref<6512xf32, #tpu.memory_space<vmem>>[vector<16xi32>], vector<16xf32>,
        tpu.vector_store_idx %arg9[%and3A_25, %add3A_404], %gather3A_415 : memref<8x4096xf32, #tpu.memory_space<vmem>>[vector<16xi32>, vector<16xi32>], vector<16xf32>,
        %add3A_416 = arith.addi %get3A_400, %and3A_31 : vector<16xi32>
        %gather3A_417 = tpu.memref_slice %arg8[%multiple_of3A_271] : memref<6568xf32, #tpu.memory_space<vmem>> -> memref<6512xf32, #tpu.memory_space<vmem>>
        %gather3A_418 = tpu.vector_load_idx %gather3A_417[%add3A_416] : memref<6512xf32, #tpu.memory_space<vmem>>[vector<16xi32>], vector<16xf32>,
        tpu.vector_store_idx %arg9[%and3A_31, %add3A_404], %gather3A_418 : memref<8x4096xf32, #tpu.memory_space<vmem>>[vector<16xi32>, vector<16xi32>], vector<16xf32>,
        %add3A_419 = arith.addi %get3A_400, %and3A_37 : vector<16xi32>
        %gather3A_420 = tpu.memref_slice %arg8[%multiple_of3A_271] : memref<6568xf32, #tpu.memory_space<vmem>> -> memref<6512xf32, #tpu.memory_space<vmem>>
        %gather3A_421 = tpu.vector_load_idx %gather3A_420[%add3A_419] : memref<6512xf32, #tpu.memory_space<vmem>>[vector<16xi32>], vector<16xf32>,
        tpu.vector_store_idx %arg9[%and3A_37, %add3A_404], %gather3A_421 : memref<8x4096xf32, #tpu.memory_space<vmem>>[vector<16xi32>, vector<16xi32>], vector<16xf32>,
        %add3A_422 = arith.addi %get3A_400, %and3A_43 : vector<16xi32>
        %gather3A_423 = tpu.memref_slice %arg8[%multiple_of3A_271] : memref<6568xf32, #tpu.memory_space<vmem>> -> memref<6512xf32, #tpu.memory_space<vmem>>
        %gather3A_424 = tpu.vector_load_idx %gather3A_423[%add3A_422] : memref<6512xf32, #tpu.memory_space<vmem>>[vector<16xi32>], vector<16xf32>,
        tpu.vector_store_idx %arg9[%and3A_43, %add3A_404], %gather3A_424 : memref<8x4096xf32, #tpu.memory_space<vmem>>[vector<16xi32>, vector<16xi32>], vector<16xf32>,
        %add3A_425 = arith.addi %get3A_400, %and3A_49 : vector<16xi32>
        %gather3A_426 = tpu.memref_slice %arg8[%multiple_of3A_271] : memref<6568xf32, #tpu.memory_space<vmem>> -> memref<6512xf32, #tpu.memory_space<vmem>>
        %gather3A_427 = tpu.vector_load_idx %gather3A_426[%add3A_425] : memref<6512xf32, #tpu.memory_space<vmem>>[vector<16xi32>], vector<16xf32>,
        tpu.vector_store_idx %arg9[%and3A_49, %add3A_404], %gather3A_427 : memref<8x4096xf32, #tpu.memory_space<vmem>>[vector<16xi32>, vector<16xi32>], vector<16xf32>,
      }
      %scan3A_300 = arith.constant 256 : i32
      %dma_start3A_301 = arith.constant 0 : i32
      %dma_start3A_302 = tpu.memref_slice %arg4[%select_n3A_252, %multiple_of3A_271, %dma_start3A_301] : memref<200x64x4096xf32, #tpu.memory_space<hbm>> -> memref<1x8x4096xf32, #tpu.memory_space<hbm>>
      %dma_start3A_303 = tpu.memref_squeeze %dma_start3A_302 : memref<1x8x4096xf32, #tpu.memory_space<hbm>> -> memref<8x4096xf32, #tpu.memory_space<hbm>>
      %dma_start3A_304 = arith.constant 0 : i32
      %dma_start3A_305 = tpu.memref_slice %arg4[%select_n3A_252, %multiple_of3A_271, %dma_start3A_304] : memref<200x64x4096xf32, #tpu.memory_space<hbm>> -> memref<1x8x4096xf32, #tpu.memory_space<hbm>>
      %dma_start3A_306 = tpu.memref_squeeze %dma_start3A_305 : memref<1x8x4096xf32, #tpu.memory_space<hbm>> -> memref<8x4096xf32, #tpu.memory_space<hbm>>
      tpu.enqueue_dma source(%arg9 : memref<8x4096xf32, #tpu.memory_space<vmem>>) target(%dma_start3A_306 : memref<8x4096xf32, #tpu.memory_space<hbm>>) target_semaphore(%arg11 : memref<!tpu.dma_semaphore, #tpu.memory_space<semaphore_mem>>)
      %dma_wait3A_307 = arith.constant 0 : i32
      %dma_wait3A_308 = arith.constant 0 : i32
      %dma_wait3A_309 = arith.constant 0 : i32
      %dma_wait3A_310 = tpu.memref_slice %arg4[%dma_wait3A_307, %dma_wait3A_308, %dma_wait3A_309] : memref<200x64x4096xf32, #tpu.memory_space<hbm>> -> memref<1x8x4096xf32, #tpu.memory_space<hbm>>
      %dma_wait3A_311 = tpu.memref_squeeze %dma_wait3A_310 : memref<1x8x4096xf32, #tpu.memory_space<hbm>> -> memref<8x4096xf32, #tpu.memory_space<hbm>>
      %dma_wait3A_312 = arith.constant 0 : i32
      %dma_wait3A_313 = arith.constant 0 : i32
      %dma_wait3A_314 = tpu.memref_slice %arg4[%dma_wait3A_307, %dma_wait3A_312, %dma_wait3A_313] : memref<200x64x4096xf32, #tpu.memory_space<hbm>> -> memref<1x8x4096xf32, #tpu.memory_space<hbm>>
      %dma_wait3A_315 = tpu.memref_squeeze %dma_wait3A_314 : memref<1x8x4096xf32, #tpu.memory_space<hbm>> -> memref<8x4096xf32, #tpu.memory_space<hbm>>
      tpu.wait_dma2 semaphore(%arg12 : memref<!tpu.dma_semaphore, #tpu.memory_space<semaphore_mem>>) src(%arg10 : memref<8x4096xf32, #tpu.memory_space<vmem>>) dst(%dma_wait3A_315 : memref<8x4096xf32, #tpu.memory_space<hbm>>)
      %add3A_316 = arith.constant 1 : i32
      %add3A_317 = arith.addi %add3A_219, %add3A_316 : i32
      %jit3A_318 = arith.constant 8 : i32
      %div3A_319 = arith.divsi %add3A_317, %jit3A_318 : i32
      %sign3A_320 = arith.constant 0 : i32
      %sign3A_321 = arith.cmpi sgt, %add3A_317, %sign3A_320 : i32
      %sign3A_322 = arith.extui %sign3A_321 : i1 to i32
      %sign3A_323 = arith.constant 0 : i32
      %sign3A_324 = arith.cmpi slt, %add3A_317, %sign3A_323 : i32
      %sign3A_325 = arith.extui %sign3A_324 : i1 to i32
      %sign3A_326 = arith.subi %sign3A_322, %sign3A_325 : i32
      %sign3A_327 = arith.constant 0 : i32
      %sign3A_328 = arith.cmpi sgt, %jit3A_318, %sign3A_327 : i32
      %sign3A_329 = arith.extui %sign3A_328 : i1 to i32
      %sign3A_330 = arith.constant 0 : i32
      %sign3A_331 = arith.cmpi slt, %jit3A_318, %sign3A_330 : i32
      %sign3A_332 = arith.extui %sign3A_331 : i1 to i32
      %sign3A_333 = arith.subi %sign3A_329, %sign3A_332 : i32
      %ne3A_334 = arith.cmpi ne, %sign3A_326, %sign3A_333 : i32
      %rem3A_335 = arith.remsi %add3A_317, %jit3A_318 : i32
      %ne3A_336 = arith.constant 0 : i32
      %ne3A_337 = arith.cmpi ne, %rem3A_335, %ne3A_336 : i32
      %and3A_338 = arith.andi %ne3A_334, %ne3A_337 : i1
      %sub3A_339 = arith.constant 1 : i32
      %sub3A_340 = arith.subi %div3A_319, %sub3A_339 : i32
      %select_n3A_341 = arith.select %and3A_338, %sub3A_340, %div3A_319 : i32
      %jit3A_342 = arith.constant 8 : i32
      %eq3A_343 = arith.constant 0 : i32
      %eq3A_344 = arith.cmpi eq, %jit3A_342, %eq3A_343 : i32
      %jit3A_345 = arith.constant 1 : i32
      %select_n3A_346 = arith.select %eq3A_344, %jit3A_345, %jit3A_342 : i32
      %rem3A_347 = arith.remsi %add3A_317, %select_n3A_346 : i32
      %ne3A_348 = arith.constant 0 : i32
      %ne3A_349 = arith.cmpi ne, %rem3A_347, %ne3A_348 : i32
      %lt3A_350 = arith.constant 0 : i32
      %lt3A_351 = arith.cmpi slt, %rem3A_347, %lt3A_350 : i32
      %lt3A_352 = arith.constant 0 : i32
      %lt3A_353 = arith.cmpi slt, %select_n3A_346, %lt3A_352 : i32
      %ne3A_354 = arith.xori %lt3A_351, %lt3A_353 : i1
      %and3A_355 = arith.andi %ne3A_354, %ne3A_349 : i1
      %add3A_356 = arith.addi %rem3A_347, %select_n3A_346 : i32
      %select_n3A_357 = arith.select %and3A_355, %add3A_356, %rem3A_347 : i32
      %mul3A_358 = arith.constant 8 : i32
      %mul3A_359 = arith.muli %select_n3A_357, %mul3A_358 : i32
      %multiple_of3A_360 = tpu.assume_multiple %mul3A_359, 8 : i32
      %eq3A_361 = arith.cmpi eq, %add3A_317, %mul3A_2 : i32
      %jit3A_362 = arith.constant 8 : i32
      %eq3A_363 = arith.constant 0 : i32
      %eq3A_364 = arith.cmpi eq, %jit3A_362, %eq3A_363 : i32
      %jit3A_365 = arith.constant 1 : i32
      %select_n3A_366 = arith.select %eq3A_364, %jit3A_365, %jit3A_362 : i32
      %rem3A_367 = arith.remsi %add3A_317, %select_n3A_366 : i32
      %ne3A_368 = arith.constant 0 : i32
      %ne3A_369 = arith.cmpi ne, %rem3A_367, %ne3A_368 : i32
      %lt3A_370 = arith.constant 0 : i32
      %lt3A_371 = arith.cmpi slt, %rem3A_367, %lt3A_370 : i32
      %lt3A_372 = arith.constant 0 : i32
      %lt3A_373 = arith.cmpi slt, %select_n3A_366, %lt3A_372 : i32
      %ne3A_374 = arith.xori %lt3A_371, %lt3A_373 : i1
      %and3A_375 = arith.andi %ne3A_374, %ne3A_369 : i1
      %add3A_376 = arith.addi %rem3A_367, %select_n3A_366 : i32
      %select_n3A_377 = arith.select %and3A_375, %add3A_376, %rem3A_367 : i32
      %eq3A_378 = arith.constant 0 : i32
      %eq3A_379 = arith.cmpi eq, %select_n3A_377, %eq3A_378 : i32
      %or3A_380 = arith.ori %eq3A_361, %eq3A_379 : i1
      %convert_element_type3A_381 = arith.extui %or3A_380 : i1 to i32
      %cond3A_382 = arith.constant 0 : i32
      %cond3A_383 = arith.cmpi ne, %convert_element_type3A_381, %cond3A_382 : i32
      scf.if %cond3A_383 {
        "tpu.region"() ({
          %run_scoped3A = tpu.sem_alloc : memref<!tpu.dma_semaphore, #tpu.memory_space<semaphore_mem>>
          %dma_start3A_404 = arith.constant 0 : i32
          %dma_start3A_405 = tpu.memref_slice %arg2[%select_n3A_341, %dma_start3A_404] : memref<208x4096xf32, #tpu.memory_space<hbm>> -> memref<1x4096xf32, #tpu.memory_space<hbm>>
          %dma_start3A_406 = tpu.memref_squeeze %dma_start3A_405 : memref<1x4096xf32, #tpu.memory_space<hbm>> -> memref<4096xf32, #tpu.memory_space<hbm>>
          %dma_start3A_407 = arith.constant 0 : i32
          %dma_start3A_408 = tpu.memref_slice %arg2[%select_n3A_341, %dma_start3A_407] : memref<208x4096xf32, #tpu.memory_space<hbm>> -> memref<1x4096xf32, #tpu.memory_space<hbm>>
          %dma_start3A_409 = tpu.memref_squeeze %dma_start3A_408 : memref<1x4096xf32, #tpu.memory_space<hbm>> -> memref<4096xf32, #tpu.memory_space<hbm>>
          tpu.enqueue_dma source(%dma_start3A_409 : memref<4096xf32, #tpu.memory_space<hbm>>) target(%arg5 : memref<4096xf32, #tpu.memory_space<vmem>>) target_semaphore(%run_scoped3A : memref<!tpu.dma_semaphore, #tpu.memory_space<semaphore_mem>>)
          %dma_wait3A_410 = arith.constant 0 : i32
          %dma_wait3A_411 = tpu.memref_slice %arg2[%select_n3A_341, %dma_wait3A_410] : memref<208x4096xf32, #tpu.memory_space<hbm>> -> memref<1x4096xf32, #tpu.memory_space<hbm>>
          %dma_wait3A_412 = tpu.memref_squeeze %dma_wait3A_411 : memref<1x4096xf32, #tpu.memory_space<hbm>> -> memref<4096xf32, #tpu.memory_space<hbm>>
          %dma_wait3A_413 = arith.constant 0 : i32
          %dma_wait3A_414 = tpu.memref_slice %arg2[%select_n3A_341, %dma_wait3A_413] : memref<208x4096xf32, #tpu.memory_space<hbm>> -> memref<1x4096xf32, #tpu.memory_space<hbm>>
          %dma_wait3A_415 = tpu.memref_squeeze %dma_wait3A_414 : memref<1x4096xf32, #tpu.memory_space<hbm>> -> memref<4096xf32, #tpu.memory_space<hbm>>
          tpu.wait_dma2 semaphore(%run_scoped3A : memref<!tpu.dma_semaphore, #tpu.memory_space<semaphore_mem>>) src(%dma_wait3A_415 : memref<4096xf32, #tpu.memory_space<hbm>>) dst(%arg5 : memref<4096xf32, #tpu.memory_space<vmem>>)
          tpu.yield
        }) : () -> ()
        %add3A_396 = arith.constant 1 : i32
        %add3A_397 = arith.addi %select_n3A_341, %add3A_396 : i32
        "tpu.region"() ({
          %run_scoped3A = tpu.sem_alloc : memref<!tpu.dma_semaphore, #tpu.memory_space<semaphore_mem>>
          %dma_start3A_404 = arith.constant 0 : i32
          %dma_start3A_405 = tpu.memref_slice %arg2[%add3A_397, %dma_start3A_404] : memref<208x4096xf32, #tpu.memory_space<hbm>> -> memref<1x4096xf32, #tpu.memory_space<hbm>>
          %dma_start3A_406 = tpu.memref_squeeze %dma_start3A_405 : memref<1x4096xf32, #tpu.memory_space<hbm>> -> memref<4096xf32, #tpu.memory_space<hbm>>
          %dma_start3A_407 = arith.constant 0 : i32
          %dma_start3A_408 = tpu.memref_slice %arg2[%add3A_397, %dma_start3A_407] : memref<208x4096xf32, #tpu.memory_space<hbm>> -> memref<1x4096xf32, #tpu.memory_space<hbm>>
          %dma_start3A_409 = tpu.memref_squeeze %dma_start3A_408 : memref<1x4096xf32, #tpu.memory_space<hbm>> -> memref<4096xf32, #tpu.memory_space<hbm>>
          tpu.enqueue_dma source(%dma_start3A_409 : memref<4096xf32, #tpu.memory_space<hbm>>) target(%arg6 : memref<4096xf32, #tpu.memory_space<vmem>>) target_semaphore(%run_scoped3A : memref<!tpu.dma_semaphore, #tpu.memory_space<semaphore_mem>>)
          %dma_wait3A_410 = arith.constant 0 : i32
          %dma_wait3A_411 = tpu.memref_slice %arg2[%add3A_397, %dma_wait3A_410] : memref<208x4096xf32, #tpu.memory_space<hbm>> -> memref<1x4096xf32, #tpu.memory_space<hbm>>
          %dma_wait3A_412 = tpu.memref_squeeze %dma_wait3A_411 : memref<1x4096xf32, #tpu.memory_space<hbm>> -> memref<4096xf32, #tpu.memory_space<hbm>>
          %dma_wait3A_413 = arith.constant 0 : i32
          %dma_wait3A_414 = tpu.memref_slice %arg2[%add3A_397, %dma_wait3A_413] : memref<208x4096xf32, #tpu.memory_space<hbm>> -> memref<1x4096xf32, #tpu.memory_space<hbm>>
          %dma_wait3A_415 = tpu.memref_squeeze %dma_wait3A_414 : memref<1x4096xf32, #tpu.memory_space<hbm>> -> memref<4096xf32, #tpu.memory_space<hbm>>
          tpu.wait_dma2 semaphore(%run_scoped3A : memref<!tpu.dma_semaphore, #tpu.memory_space<semaphore_mem>>) src(%dma_wait3A_415 : memref<4096xf32, #tpu.memory_space<hbm>>) dst(%arg6 : memref<4096xf32, #tpu.memory_space<vmem>>)
          tpu.yield
        }) : () -> ()
        %scan3A_398 = arith.constant 0 : i32
        %scan3A_399 = arith.constant 0 : i32
        %scan3A_400 = arith.constant 256 : i32
        %scan3A_401 = arith.addi %scan3A_399, %scan3A_400 : i32
        %scan3A_402 = arith.constant 1 : i32
        scf.for %scan3A_404 = %scan3A_399 to %scan3A_401 step %scan3A_402  : i32 {
          %mul3A_405 = arith.constant 16 : i32
          %mul3A_406 = arith.muli %scan3A_404, %mul3A_405 : i32
          %multiple_of3A_407 = tpu.assume_multiple %mul3A_406, 16 : i32
          %get3A = arith.index_cast %multiple_of3A_407 : i32 to index
          %get3A_408 = tpu.vector_load %arg6[%get3A] {strides = array<i32>} : memref<4096xf32, #tpu.memory_space<vmem>>, vector<16xf32>,
          %get3A_409 = arith.index_cast %multiple_of3A_407 : i32 to index
          %get3A_410 = tpu.vector_load %arg5[%get3A_409] {strides = array<i32>} : memref<4096xf32, #tpu.memory_space<vmem>>, vector<16xf32>,
          %sub3A_411 = arith.subf %get3A_408, %get3A_410 : vector<16xf32>
          %mul3A_412 = arith.constant 1.000000e+02 : f32
          %mul3A_413 = vector.broadcast %mul3A_412 : f32 to vector<16xf32>
          %mul3A_414 = arith.mulf %sub3A_411, %mul3A_413 : vector<16xf32>
          %convert_element_type3A_415 = arith.fptosi %mul3A_414 : vector<16xf32> to vector<16xi32>
          %max3A = arith.constant 0 : i32
          %max3A_416 = vector.broadcast %max3A : i32 to vector<16xi32>
          %max3A_417 = arith.maxsi %convert_element_type3A_415, %max3A_416 : vector<16xi32>
          %min3A = arith.constant 100 : i32
          %min3A_418 = vector.broadcast %min3A : i32 to vector<16xi32>
          %min3A_419 = arith.minsi %max3A_417, %min3A_418 : vector<16xi32>
          %mul3A_420 = arith.constant 65 : i32
          %mul3A_421 = vector.broadcast %mul3A_420 : i32 to vector<16xi32>
          %mul3A_422 = arith.muli %min3A_419, %mul3A_421 : vector<16xi32>
          %swap3A = arith.index_cast %multiple_of3A_407 : i32 to index
          %swap3A_423 = tpu.vector_load %arg7[%swap3A] {strides = array<i32>} : memref<4096xi32, #tpu.memory_space<vmem>>, vector<16xi32>,
          tpu.vector_store %arg7[%swap3A], %mul3A_422 {strides = array<i32>} : memref<4096xi32, #tpu.memory_space<vmem>>, vector<16xi32>,
        }
        %scan3A_403 = arith.constant 256 : i32
      } else {
      }
      %scan3A_384 = arith.constant 0 : i32
      %scan3A_385 = arith.constant 0 : i32
      %scan3A_386 = arith.constant 256 : i32
      %scan3A_387 = arith.addi %scan3A_385, %scan3A_386 : i32
      %scan3A_388 = arith.constant 1 : i32
      scf.for %scan3A_396 = %scan3A_385 to %scan3A_387 step %scan3A_388  : i32 {
        %mul3A_397 = arith.constant 16 : i32
        %mul3A_398 = arith.muli %scan3A_396, %mul3A_397 : i32
        %multiple_of3A_399 = tpu.assume_multiple %mul3A_398, 16 : i32
        %get3A = arith.index_cast %multiple_of3A_399 : i32 to index
        %get3A_400 = tpu.vector_load %arg7[%get3A] {strides = array<i32>} : memref<4096xi32, #tpu.memory_space<vmem>>, vector<16xi32>,
        %mul3A_401 = arith.constant 16 : i32
        %mul3A_402 = arith.muli %scan3A_396, %mul3A_401 : i32
        %add3A_403 = vector.broadcast %mul3A_402 : i32 to vector<16xi32>
        %add3A_404 = arith.addi %iota3A, %add3A_403 : vector<16xi32>
        %add3A_405 = arith.addi %get3A_400, %and3A_7 : vector<16xi32>
        %gather3A = tpu.memref_slice %arg8[%multiple_of3A_360] : memref<6568xf32, #tpu.memory_space<vmem>> -> memref<6512xf32, #tpu.memory_space<vmem>>
        %gather3A_406 = tpu.vector_load_idx %gather3A[%add3A_405] : memref<6512xf32, #tpu.memory_space<vmem>>[vector<16xi32>], vector<16xf32>,
        tpu.vector_store_idx %arg10[%and3A_7, %add3A_404], %gather3A_406 : memref<8x4096xf32, #tpu.memory_space<vmem>>[vector<16xi32>, vector<16xi32>], vector<16xf32>,
        %add3A_407 = arith.addi %get3A_400, %and3A_13 : vector<16xi32>
        %gather3A_408 = tpu.memref_slice %arg8[%multiple_of3A_360] : memref<6568xf32, #tpu.memory_space<vmem>> -> memref<6512xf32, #tpu.memory_space<vmem>>
        %gather3A_409 = tpu.vector_load_idx %gather3A_408[%add3A_407] : memref<6512xf32, #tpu.memory_space<vmem>>[vector<16xi32>], vector<16xf32>,
        tpu.vector_store_idx %arg10[%and3A_13, %add3A_404], %gather3A_409 : memref<8x4096xf32, #tpu.memory_space<vmem>>[vector<16xi32>, vector<16xi32>], vector<16xf32>,
        %add3A_410 = arith.addi %get3A_400, %and3A_19 : vector<16xi32>
        %gather3A_411 = tpu.memref_slice %arg8[%multiple_of3A_360] : memref<6568xf32, #tpu.memory_space<vmem>> -> memref<6512xf32, #tpu.memory_space<vmem>>
        %gather3A_412 = tpu.vector_load_idx %gather3A_411[%add3A_410] : memref<6512xf32, #tpu.memory_space<vmem>>[vector<16xi32>], vector<16xf32>,
        tpu.vector_store_idx %arg10[%and3A_19, %add3A_404], %gather3A_412 : memref<8x4096xf32, #tpu.memory_space<vmem>>[vector<16xi32>, vector<16xi32>], vector<16xf32>,
        %add3A_413 = arith.addi %get3A_400, %and3A_25 : vector<16xi32>
        %gather3A_414 = tpu.memref_slice %arg8[%multiple_of3A_360] : memref<6568xf32, #tpu.memory_space<vmem>> -> memref<6512xf32, #tpu.memory_space<vmem>>
        %gather3A_415 = tpu.vector_load_idx %gather3A_414[%add3A_413] : memref<6512xf32, #tpu.memory_space<vmem>>[vector<16xi32>], vector<16xf32>,
        tpu.vector_store_idx %arg10[%and3A_25, %add3A_404], %gather3A_415 : memref<8x4096xf32, #tpu.memory_space<vmem>>[vector<16xi32>, vector<16xi32>], vector<16xf32>,
        %add3A_416 = arith.addi %get3A_400, %and3A_31 : vector<16xi32>
        %gather3A_417 = tpu.memref_slice %arg8[%multiple_of3A_360] : memref<6568xf32, #tpu.memory_space<vmem>> -> memref<6512xf32, #tpu.memory_space<vmem>>
        %gather3A_418 = tpu.vector_load_idx %gather3A_417[%add3A_416] : memref<6512xf32, #tpu.memory_space<vmem>>[vector<16xi32>], vector<16xf32>,
        tpu.vector_store_idx %arg10[%and3A_31, %add3A_404], %gather3A_418 : memref<8x4096xf32, #tpu.memory_space<vmem>>[vector<16xi32>, vector<16xi32>], vector<16xf32>,
        %add3A_419 = arith.addi %get3A_400, %and3A_37 : vector<16xi32>
        %gather3A_420 = tpu.memref_slice %arg8[%multiple_of3A_360] : memref<6568xf32, #tpu.memory_space<vmem>> -> memref<6512xf32, #tpu.memory_space<vmem>>
        %gather3A_421 = tpu.vector_load_idx %gather3A_420[%add3A_419] : memref<6512xf32, #tpu.memory_space<vmem>>[vector<16xi32>], vector<16xf32>,
        tpu.vector_store_idx %arg10[%and3A_37, %add3A_404], %gather3A_421 : memref<8x4096xf32, #tpu.memory_space<vmem>>[vector<16xi32>, vector<16xi32>], vector<16xf32>,
        %add3A_422 = arith.addi %get3A_400, %and3A_43 : vector<16xi32>
        %gather3A_423 = tpu.memref_slice %arg8[%multiple_of3A_360] : memref<6568xf32, #tpu.memory_space<vmem>> -> memref<6512xf32, #tpu.memory_space<vmem>>
        %gather3A_424 = tpu.vector_load_idx %gather3A_423[%add3A_422] : memref<6512xf32, #tpu.memory_space<vmem>>[vector<16xi32>], vector<16xf32>,
        tpu.vector_store_idx %arg10[%and3A_43, %add3A_404], %gather3A_424 : memref<8x4096xf32, #tpu.memory_space<vmem>>[vector<16xi32>, vector<16xi32>], vector<16xf32>,
        %add3A_425 = arith.addi %get3A_400, %and3A_49 : vector<16xi32>
        %gather3A_426 = tpu.memref_slice %arg8[%multiple_of3A_360] : memref<6568xf32, #tpu.memory_space<vmem>> -> memref<6512xf32, #tpu.memory_space<vmem>>
        %gather3A_427 = tpu.vector_load_idx %gather3A_426[%add3A_425] : memref<6512xf32, #tpu.memory_space<vmem>>[vector<16xi32>], vector<16xf32>,
        tpu.vector_store_idx %arg10[%and3A_49, %add3A_404], %gather3A_427 : memref<8x4096xf32, #tpu.memory_space<vmem>>[vector<16xi32>, vector<16xi32>], vector<16xf32>,
      }
      %scan3A_389 = arith.constant 256 : i32
      %dma_start3A_390 = arith.constant 0 : i32
      %dma_start3A_391 = tpu.memref_slice %arg4[%select_n3A_341, %multiple_of3A_360, %dma_start3A_390] : memref<200x64x4096xf32, #tpu.memory_space<hbm>> -> memref<1x8x4096xf32, #tpu.memory_space<hbm>>
      %dma_start3A_392 = tpu.memref_squeeze %dma_start3A_391 : memref<1x8x4096xf32, #tpu.memory_space<hbm>> -> memref<8x4096xf32, #tpu.memory_space<hbm>>
      %dma_start3A_393 = arith.constant 0 : i32
      %dma_start3A_394 = tpu.memref_slice %arg4[%select_n3A_341, %multiple_of3A_360, %dma_start3A_393] : memref<200x64x4096xf32, #tpu.memory_space<hbm>> -> memref<1x8x4096xf32, #tpu.memory_space<hbm>>
      %dma_start3A_395 = tpu.memref_squeeze %dma_start3A_394 : memref<1x8x4096xf32, #tpu.memory_space<hbm>> -> memref<8x4096xf32, #tpu.memory_space<hbm>>
      tpu.enqueue_dma source(%arg10 : memref<8x4096xf32, #tpu.memory_space<vmem>>) target(%dma_start3A_395 : memref<8x4096xf32, #tpu.memory_space<hbm>>) target_semaphore(%arg12 : memref<!tpu.dma_semaphore, #tpu.memory_space<semaphore_mem>>)
    }
    %scan3A_198 = arith.constant 24 : i32
    %dma_wait3A = arith.constant 0 : i32
    %dma_wait3A_199 = arith.constant 0 : i32
    %dma_wait3A_200 = arith.constant 0 : i32
    %dma_wait3A_201 = tpu.memref_slice %arg4[%dma_wait3A, %dma_wait3A_199, %dma_wait3A_200] : memref<200x64x4096xf32, #tpu.memory_space<hbm>> -> memref<1x8x4096xf32, #tpu.memory_space<hbm>>
    %dma_wait3A_202 = tpu.memref_squeeze %dma_wait3A_201 : memref<1x8x4096xf32, #tpu.memory_space<hbm>> -> memref<8x4096xf32, #tpu.memory_space<hbm>>
    %dma_wait3A_203 = arith.constant 0 : i32
    %dma_wait3A_204 = arith.constant 0 : i32
    %dma_wait3A_205 = tpu.memref_slice %arg4[%dma_wait3A, %dma_wait3A_203, %dma_wait3A_204] : memref<200x64x4096xf32, #tpu.memory_space<hbm>> -> memref<1x8x4096xf32, #tpu.memory_space<hbm>>
    %dma_wait3A_206 = tpu.memref_squeeze %dma_wait3A_205 : memref<1x8x4096xf32, #tpu.memory_space<hbm>> -> memref<8x4096xf32, #tpu.memory_space<hbm>>
    tpu.wait_dma2 semaphore(%arg11 : memref<!tpu.dma_semaphore, #tpu.memory_space<semaphore_mem>>) src(%arg9 : memref<8x4096xf32, #tpu.memory_space<vmem>>) dst(%dma_wait3A_206 : memref<8x4096xf32, #tpu.memory_space<hbm>>)
    %dma_wait3A_207 = arith.constant 0 : i32
    %dma_wait3A_208 = arith.constant 0 : i32
    %dma_wait3A_209 = arith.constant 0 : i32
    %dma_wait3A_210 = tpu.memref_slice %arg4[%dma_wait3A_207, %dma_wait3A_208, %dma_wait3A_209] : memref<200x64x4096xf32, #tpu.memory_space<hbm>> -> memref<1x8x4096xf32, #tpu.memory_space<hbm>>
    %dma_wait3A_211 = tpu.memref_squeeze %dma_wait3A_210 : memref<1x8x4096xf32, #tpu.memory_space<hbm>> -> memref<8x4096xf32, #tpu.memory_space<hbm>>
    %dma_wait3A_212 = arith.constant 0 : i32
    %dma_wait3A_213 = arith.constant 0 : i32
    %dma_wait3A_214 = tpu.memref_slice %arg4[%dma_wait3A_207, %dma_wait3A_212, %dma_wait3A_213] : memref<200x64x4096xf32, #tpu.memory_space<hbm>> -> memref<1x8x4096xf32, #tpu.memory_space<hbm>>
    %dma_wait3A_215 = tpu.memref_squeeze %dma_wait3A_214 : memref<1x8x4096xf32, #tpu.memory_space<hbm>> -> memref<8x4096xf32, #tpu.memory_space<hbm>>
    tpu.wait_dma2 semaphore(%arg12 : memref<!tpu.dma_semaphore, #tpu.memory_space<semaphore_mem>>) src(%arg10 : memref<8x4096xf32, #tpu.memory_space<vmem>>) dst(%dma_wait3A_215 : memref<8x4096xf32, #tpu.memory_space<hbm>>)
    return
  }
}

module attributes {stable_mosaic.version = 14 : i64} {
  func.func @body(%arg0: i32, %arg1: memref<1024x201xf32, #tpu.memory_space<vmem>>, %arg2: memref<208x1024xf32, #tpu.memory_space<vmem>>) attributes {dimension_semantics = [#tpu.dimension_semantics<arbitrary>], iteration_bounds = array<i64: 4>, scalar_prefetch = 0 : i64, scratch_operands = 0 : i64, tpu.core_type = #tpu.core_type<tc>, window_params = [{transform_indices = @transform_0, window_bounds = array<i64: 1024, 201>}, {transform_indices = @transform_1, window_bounds = array<i64: 208, 1024>}]} {
    %get3A = arith.constant 0 : index
    %get3A_0 = arith.constant 0 : index
    %get3A_1 = vector.load %arg1[%get3A, %get3A_0] : memref<1024x201xf32, #tpu.memory_space<vmem>>, vector<1024x201xf32>
    %transpose3A = tpu.transpose %get3A_1, [1, 0] : vector<1024x201xf32> -> vector<201x1024xf32>
    %broadcast_in_dim3A = arith.constant 0.000000e+00 : f32
    %broadcast_in_dim3A_2 = vector.broadcast %broadcast_in_dim3A : f32 to vector<7x1024xf32>
    %concatenate3A = tpu.concatenate %transpose3A, %broadcast_in_dim3A_2 in 0 : vector<201x1024xf32>, vector<7x1024xf32> -> vector<208x1024xf32>
    %swap3A = arith.constant 0 : index
    %swap3A_3 = arith.constant 0 : index
    %swap3A_4 = vector.load %arg2[%swap3A, %swap3A_3] : memref<208x1024xf32, #tpu.memory_space<vmem>>, vector<208x1024xf32>
    tpu.vector_store %arg2[%swap3A, %swap3A_3], %concatenate3A {strides = array<i32>} : memref<208x1024xf32, #tpu.memory_space<vmem>>, vector<208x1024xf32>,
    return
  }
  func.func @transform_0(%arg0: i32) -> (i32, i32) {
    %c0_i32 = arith.constant 0 : i32
    %c0_i32_0 = arith.constant 0 : i32
    return %arg0, %c0_i32 : i32, i32
  }
  func.func @transform_1(%arg0: i32) -> (i32, i32) {
    %c0_i32 = arith.constant 0 : i32
    %c0_i32_0 = arith.constant 0 : i32
    return %c0_i32, %arg0 : i32, i32
  }
}

</mosaic_0001>

<sc_bundles>
// kernel: kernel.4.cloned.1.call-start
scs
__scs_entry_jumppad:
0x0: {  	(pc) =	sbr.rel $0x88, $3  }
0x1: {  	(tag) =	ssettag $0x0;
	lr =	simm.s32 $0x1  }
0x2: {  	[smem:$0x3F9E] =	sst lr;
	_ =	strace $0xD0000000  }
0x3: {  	_ = 	snop  }
0x4: {  	_ = 	snop  }
0x5: {  	_ = 	snop  }
0x6: {  	_ = 	snop  }
0x7: {  	_ = 	snop  }
__scs_overlays_trampoline_lowered:
0x8: {  	[smem:$0x3FAD] =	sst s0  }
0x9: {  	[smem:$0x3FAE] =	sst s1  }
0xa: {  	[smem:$0x3FAF] =	sst s2  }
0xb: {  	[smem:$0x3FB0] =	sst s3  }
0xc: {  	[smem:$0x3FB1] =	sst s4  }
0xd: {  	[smem:$0x3FB2] =	sst s5  }
0xe: {  	[smem:$0x3FB3] =	sst s6  }
0xf: {  	[smem:$0x3FB4] =	sst s7  }
0x10: {  	[smem:$0x3FB5] =	sst s8  }
0x11: {  	[smem:$0x3FB6] =	sst s9;
	s0 =	simm.s32 @!p0 $0x0  }
0x12: {  	s1 =	sld [smem:$0x3F9C];
	s0 =	simm.s32 @p0 $0x1  }
0x13: {  	[smem:$0x3FB7] =	sst s0;
	s0 =	simm.s32 @!p1 $0x0  }
0x14: {  	s2 =	sld [smem:$0x3F9B];
	s0 =	simm.s32 @p1 $0x1  }
0x15: {  	[smem:$0x3FB8] =	sst s0;
	s0 =	simm.s32 @!p2 $0x0  }
0x16: {  	s3 =	sld [smem:$0x3FDB];
	s0 =	simm.s32 @p2 $0x1  }
0x17: {  	s4 =	simm.s32 $0x1BF5;
	[smem:$0x3FBA] =	sst s0  }
0x18: {  	s0 =	sld [smem:$0x3F9D];
	_ =	swait.ge [sflag:s4], $0x0  }
0x19: {  	s7 =	sld [smem:$0x3F9E]  }
0x1a: {  	s8 =	sadd.s32 $0xFFFFE003, lr  }
0x1b: {  	s9 =	sadd.s32 $0xFFFFFEF7, lr;
	s5 =	simm.s32 $0xFFFFFFFF;
	p2 =	slt.u32 s8, $0xFFFFF086  }
0x1c: {  	p1 =	slt.u32 s9, $0xF7A;
	s5 =	simm.s32 @!p2 $0x0  }
0x1d: {  	s5 =	simm.s32 @p1 $0x1;
	p0 =	seq.s32 s7, s2  }
0x1e: {  	s7 =	smul.u32 @!p0 $0xF7A, s2;
	p2 =	seq.s32 @!p0 s5, $0x0  }
0x1f: {  	s9 =	smul.u32 $0xF7A, s1;
	s8 =	simm.s32 @!p0 $0x1BF5;
	p2 =	por !p2, p0  }
0x20: {  	[sflag:s8] =	ssyncset.s32 @!p0 $0xFFFFF086;
	s6 =	sadd.s32 @!p0 s3, s7;
	s7 =	simm.s32 @!p0 $0x108  }
0x21: {  	s3 =	sadd.s32 s3, s9;
	s6 =	sadd.s32 @!p0 $0x88, s6;
	s7 =	simm.s32 @p2 $0x1082  }
0x22: {  	[simem:s7], [sflag:s8] =	dma.local @!p0 [hbm:s6], $0xF7A  }
0x23: {  	s9 =	sor.u32 $0xD0000000, s2;
	s6 =	simm.s32 $0x108;
	_ =	swait.ge @!p0 [sflag:s8], $0x0  }
0x24: {  	s3 =	sadd.s32 $0x88, s3;
	s6 =	simm.s32 @!p1 $0x1082;
	[sflag:s4] =	ssyncset.s32 $0xFFFFF086  }
0x25: {  	[simem:s6], [sflag:s4] =	dma.local [hbm:s3], $0xF7A  }
0x26: {  	[smem:$0x3F9E] =	sst s1;
	(tag) =	ssettag s2;
	_ =	strace s9  }
0x27: {  	s1 =	sld [smem:$0x3FAE]  }
0x28: {  	s2 =	sld [smem:$0x3FAF]  }
0x29: {  	s4 =	sld [smem:$0x3FB1]  }
0x2a: {  	p0 =	seq.s32 s5, $0x0;
	s5 =	sld [smem:$0x3FB2]  }
0x2b: {  	s6 =	sld [smem:$0x3FB3]  }
0x2c: {  	s7 =	sld [smem:$0x3FB4]  }
0x2d: {  	s3 =	simm.s32 $0x108;
	s8 =	sld [smem:$0x3FB5]  }
0x2e: {  	s3 =	simm.s32 @!p0 $0x1082;
	s9 =	sld [smem:$0x3FB6]  }
0x2f: {  	lr =	sadd.s32 s0, s3;
	s0 =	sld [smem:$0x3FAD]  }
0x30: {  	s3 =	sld [smem:$0x3FB0]  }
0x31: {  	[smem:$0x3FB9] =	sst s10  }
0x32: {  	s10 =	sld [smem:$0x3FB7];
	_ =	sdelay $0x3  }
0x33: {  	p0 =	seq.s32 s10, $0x1;
	s10 =	sld [smem:$0x3FB9];
	_ =	sdelay $0x3  }
0x34: {  	[smem:$0x3FB9] =	sst s10  }
0x35: {  	s10 =	sld [smem:$0x3FB8];
	_ =	sdelay $0x3  }
0x36: {  	p1 =	seq.s32 s10, $0x1;
	s10 =	sld [smem:$0x3FB9];
	_ =	sdelay $0x3  }
0x37: {  	[smem:$0x3FB9] =	sst s10  }
0x38: {  	s10 =	sld [smem:$0x3FBA]  }
0x39: {  	_ = 	snop;
	(pc) =	sbr.ind lr, $3  }
0x3a: {  	_ = 	snop  }
0x3b: {  	_ = 	snop  }
0x3c: {  	p2 =	seq.s32 s10, $0x1;
	s10 =	sld [smem:$0x3FB9]  }
0x3d: {  	_ =	shalt  }
0x3e: {  	_ =	shalt  }
0x3f: {  	_ =	shalt  }
0x40: {  	_ =	shalt  }
0x41: {  	_ =	shalt  }
0x42: {  	_ =	shalt  }
0x43: {  	_ =	shalt  }
0x44: {  	_ =	shalt  }
0x45: {  	_ =	shalt  }
0x46: {  	_ =	shalt  }
0x47: {  	_ =	shalt  }
0x48: {  	_ =	shalt  }
0x49: {  	_ =	shalt  }
0x4a: {  	_ =	shalt  }
0x4b: {  	_ =	shalt  }
0x4c: {  	_ =	shalt  }
0x4d: {  	_ =	shalt  }
0x4e: {  	_ =	shalt  }
0x4f: {  	_ =	shalt  }
0x50: {  	_ =	shalt  }
0x51: {  	_ =	shalt  }
0x52: {  	_ =	shalt  }
0x53: {  	_ =	shalt  }
0x54: {  	_ =	shalt  }
0x55: {  	_ =	shalt  }
0x56: {  	_ =	shalt  }
0x57: {  	_ =	shalt  }
0x58: {  	_ =	shalt  }
0x59: {  	_ =	shalt  }
0x5a: {  	_ =	shalt  }
0x5b: {  	_ =	shalt  }
0x5c: {  	_ =	shalt  }
0x5d: {  	_ =	shalt  }
0x5e: {  	_ =	shalt  }
0x5f: {  	_ =	shalt  }
0x60: {  	_ =	shalt  }
0x61: {  	_ =	shalt  }
0x62: {  	_ =	shalt  }
0x63: {  	_ =	shalt  }
0x64: {  	_ =	shalt  }
0x65: {  	_ =	shalt  }
0x66: {  	_ =	shalt  }
0x67: {  	_ =	shalt  }
0x68: {  	_ =	shalt  }
0x69: {  	_ =	shalt  }
0x6a: {  	_ =	shalt  }
0x6b: {  	_ =	shalt  }
0x6c: {  	_ =	shalt  }
0x6d: {  	_ =	shalt  }
0x6e: {  	_ =	shalt  }
0x6f: {  	_ =	shalt  }
0x70: {  	_ =	shalt  }
0x71: {  	_ =	shalt  }
0x72: {  	_ =	shalt  }
0x73: {  	_ =	shalt  }
0x74: {  	_ =	shalt  }
0x75: {  	_ =	shalt  }
0x76: {  	_ =	shalt  }
0x77: {  	_ =	shalt  }
0x78: {  	_ =	shalt  }
0x79: {  	_ =	shalt  }
0x7a: {  	_ =	shalt  }
0x7b: {  	_ =	shalt  }
0x7c: {  	_ =	shalt  }
0x7d: {  	_ =	shalt  }
0x7e: {  	_ =	shalt  }
0x7f: {  	_ =	shalt  }
0x80: {  	_ =	shalt  }
0x81: {  	_ =	shalt  }
0x82: {  	_ =	shalt  }
0x83: {  	_ =	shalt  }
0x84: {  	_ =	shalt  }
0x85: {  	_ =	shalt  }
0x86: {  	_ =	shalt  }
0x87: {  	_ =	shalt  }
.Lfunc_end0:
.L_simem_size_0:
called_computation_lowered:
.L_overlay_start_0:
0x88: {  	s2 =	sld [smem:$0x3FD9]  }
0x89: {  	s3 =	sld [smem:$0x3FFE];
	_ =	sdelay $0x1  }
0x8a: {  	s1 =	srdreg.scid  }
0x8b: {  	s0 =	sand.u32 $0x1, s1  }
0x8c: {  	s14 =	sshll.u32 s0, $0xA;
	s2 =	sadd.s32 s3, s2  }
0x8d: {  	s2 =	sadd.s32 s2, s14  }
0x8e: {  	[smem:$0x3FC5] =	sst s2  }
0x8f: {  	_ = 	snop  }
0x90: {  	s2 =	sld [smem:$0x3FD0];
	_ =	sdelay $0x2  }
0x91: {  	s15 =	simm.s32 $0xA;
	s4 =	simm.s32 $0x10  }
0x92: {  	[smem:s4], [sflag:s15] =	dma.local [hbm:s2], $0x1  }
0x93: {  	_ =	swait.eq [sflag:s15], $0x1  }
0x94: {  	[sflag:s15] =	ssyncset.done $0x0  }
0x95: {  	[sflag:s15] =	ssyncadd.s32 $0xFFFFFFFF  }
0x96: {  	s16 =	sld [smem:$0x10];
	(tm) =	ssettm $0x1  }
0x97: {  	s17 =	sld [smem:$0x3FFB];
	_ =	sdelay $0x3  }
0x98: {  	_ =	strace s17  }
0x99: {  	s3 =	sld [smem:$0x3FFC];
	_ =	sdelay $0x3  }
0x9a: {  	_ =	strace s3  }
0x9b: {  	s3 =	sld [smem:$0x3FFD];
	_ =	sdelay $0x3  }
0x9c: {  	_ =	strace s3  }
0x9d: {  	_ =	strace $0x8FFFFFFF  }
0x9e: {  	s18 =	sld [smem:$0x3FDB];
	_ =	sdelay $0x1  }
0x9f: {  	s19 =	simm.s32 $_scs_section_size  }
0xa0: {  	s5 =	simm.s32 $_size__tile_overlayer_lowered;
	s6 =	simm.s32 $_tile_overlayer_lowered  }
0xa1: {  	s22 =	simm.s32 $0x1BFF;
	s21 =	sshll.u32 s6, $0x1;
	s3 =	sadd.s32 s19, s18  }
0xa2: {  	s7 =	simm.s32 $0x0;
	s20 =	sshll.u32 s5, $0x1;
	s5 =	sadd.s32 s21, s3  }
0xa3: {  	[timem:s7], [sflag:s22] =	dma.local [hbm:s5], s20  }
0xa4: {  	_ =	swait.ge [sflag:s22], s20  }
0xa5: {  	s4 =	ssub.s32 $0x0, s20;
	[sflag:s22] =	ssyncset.done $0x0  }
0xa6: {  	[sflag:s22] =	ssyncadd.s32 s4;
	_ =	sdelay $0x1  }
0xa7: {  	s23 =	simm.s32 $0x1B8B  }
0xa8: {  	_ =	swait.ge [sflag:s23], $0x1  }
0xa9: {  	[sflag:s23] =	ssyncset.done $0x0  }
0xaa: {  	s25 =	simm.s32 $0x1B8E;
	s24 =	sld [smem:$0x3FFE];
	[sflag:s23] =	ssyncadd.s32 $0xFFFFFFFF  }
0xab: {  	s26 =	simm.s32 $execute0_lowered;
	[smem:$0x3FD2] =	sst s25  }
0xac: {  	s5 =	sshll.u32 s26, $0x1;
	_ =	strace $0x80000046;
	[dreg:$0x1] =	wrdreg $0xFFFFFFFF  }
0xad: {  	s28 =	simm.s32 $_size_execute0_lowered;
	s3 =	sadd.s32 s3, s5;
	[dreg:$0x0] =	wrdreg $0x0  }
0xae: {  	s5 =	sshll.u32 s28, $0x1;
	[dreg:$0x2] =	wrdreg s3  }
0xaf: {  	[dreg:$0x3] =	wrdreg s5  }
0xb0: {  	[dreg:$0x4] =	wrdreg $0xC0  }
0xb1: {  	_ =	task [dreg:s7], $0x5FFFF  }
0xb2: {  	[dreg:$0x1] =	wrdreg $0xFFFFFFFF  }
0xb3: {  	[dreg:$0x0] =	wrdreg $0x60  }
0xb4: {  	[dreg:$0x2] =	wrdreg s24  }
0xb5: {  	[dreg:$0x3] =	wrdreg s16  }
0xb6: {  	[dreg:$0x4] =	wrdreg $0x9  }
0xb7: {  	_ =	task.clear_ibuf [dreg:s7], $0x5FFFF;
	_ =	strace $0x90000046  }
0xb8: {  	s29 =	simm.s32 $0x9;
	_ =	strace $0x80000048  }
0xb9: {  	_ =	swait.ge [sflag:s29], $0x1  }
0xba: {  	[sflag:s29] =	ssyncadd.s32 $0xFFFFFFFF  }
0xbb: {  	_ =	strace $0x90000048  }
0xbc: {  	_ =	sfence  }
0xbd: {  	s30 =	sld [smem:$0x0];
	_ =	sdelay $0x2  }
0xbe: {  	s31 =	sshll.u32 s1, $0xD;
	s1 =	sshrl.u32 s1, $0x2  }
0xbf: {  	s3 =	sand.u32 $0x4000, s31;
	s1 =	sadd.s32 s1, s30  }
0xc0: {  	s0 =	sor.u32 s3, s0;
	s1 =	sshll.u32 s1, $0x11  }
0xc1: {  	s0 =	sor.u32 s1, s0  }
0xc2: {  	s0 =	sadd.s32 $0x8F2B, s0  }
0xc3: {  	[sflag:s0] =	ssyncadd.remote.s32 $0x1  }
0xc4: {  	_ =	sfence.sel $0xFFFF  }
0xc5: {  	[dreg:$0x0] =	wrdreg $0xFFFFFFFF;
	(pc) =	sbr.abs _section_cstart, $3  }
0xc6: {  	[dreg:$0x1] =	wrdreg $0xFFFFFFFF  }
0xc7: {  	_ =	task.clear_ibuf [dreg:s7], $0x2FFFF;
	_ =	strace $0x9FFFFFFF  }
0xc8: {  	(tm) =	ssettm $0x7FFFFFFF  }
0xc9: {  	_ =	shalt  }
tec
execute0_lowered:
.L_overlay_start_1:
0x0: {  	(tag) =	ssettag $0x1  }
0x1: {  	vm13 =	vcmask $0x300;
	v0 =	vimm.s32 $0x0  }
0x2: {  	vm12 =	vcmask $0x704;
	vm11 =	vcmask $0xB08;
	vm10 =	vcmask $0xF0C  }
0x3: {  	vm9 =	vcmask $0x1310;
	vm8 =	vcmask $0x1714;
	v3 =	vimm.s32 $0x7654321  }
0x4: {  	vm7 =	vcmask $0x1B18;
	vm6 =	vcmask $0x2320;
	vm5 =	vcmask $0x2724  }
0x5: {  	vm4 =	vcmask $0x2B28;
	vm3 =	vcmask $0x2F2C;
	v5 =	vimm.s32 $0x80  }
0x6: {  	vm2 =	vcmask $0x3330;
	vm0 =	vcmask $0x3734;
	v6 =	vimm.s32 $0x100  }
0x7: {  	vm1 =	vcmask $0x3B38;
	v7 =	vimm.s32 $0x10765432;
	v9 =	vimm.s32 $0x21076543  }
0x8: {  	v12 =	vimm.s32 $0x43210765;
	v14 =	vimm.s32 $0x300;
	v15 =	vimm.s32 $0x54321076  }
0x9: {  	v16 =	vimm.s32 $0x65432107;
	v0 =	vsel vm13, $0x80, v0;
	v3 =	vunpack.c.l.s4.s8 v3  }
0xa: {  	v5 =	vsel vm13, $0x100, v5;
	v6 =	vsel vm13, $0x180, v6;
	v7 =	vunpack.c.l.s4.s8 v7  }
0xb: {  	v9 =	vunpack.c.l.s4.s8 v9;
	v12 =	vunpack.c.l.s4.s8 v12;
	v14 =	vsel vm13, $0x380, v14  }
0xc: {  	v15 =	vunpack.c.l.s4.s8 v15;
	v16 =	vunpack.c.l.s4.s8 v16;
	v0 =	vsel vm12, $0x100, v0  }
0xd: {  	v5 =	vsel vm12, $0x180, v5;
	v6 =	vsel vm12, $0x200, v6;
	v14 =	vsel vm12, $0x0, v14  }
0xe: {  	v1 =	vsel vm11, $0x180, v0;
	v0 =	vlaneseq.u32;
	v3 =	vunpack.c.0.s8.s32 v3  }
0xf: {  	v5 =	vsel vm11, $0x200, v5;
	v6 =	vsel vm11, $0x280, v6;
	v14 =	vsel vm11, $0x80, v14  }
0x10: {  	v2 =	vsel vm10, $0x200, v1;
	v1 =	vand.u32 $0x7, v0;
	v5 =	vsel vm10, $0x280, v5  }
0x11: {  	v6 =	vsel vm10, $0x300, v6;
	v14 =	vsel vm10, $0x100, v14;
	v5 =	vsel vm9, $0x300, v5  }
0x12: {  	v2 =	vsel vm9, $0x280, v2;
	v6 =	vsel vm9, $0x380, v6;
	v5 =	vsel vm8, $0x380, v5  }
0x13: {  	v14 =	vsel vm9, $0x180, v14;
	v6 =	vsel vm8, $0x0, v6;
	v8 =	vsel vm7, $0x0, v5  }
0x14: {  	v5 =	vunpack.c.0.s8.s32 v7;
	v7 =	vsel vm6, $0x100, v8;
	v8 =	vimm.s32 $0x180  }
0x15: {  	v2 =	vsel vm8, $0x300, v2;
	v6 =	vsel vm7, $0x80, v6;
	v8 =	vsel vm13, $0x200, v8  }
0x16: {  	v14 =	vsel vm8, $0x200, v14;
	v6 =	vsel vm6, $0x180, v6;
	v8 =	vsel vm12, $0x280, v8  }
0x17: {  	v7 =	vsel vm5, $0x180, v7;
	v6 =	vsel vm5, $0x200, v6;
	v8 =	vsel vm11, $0x300, v8  }
0x18: {  	v7 =	vsel vm4, $0x200, v7;
	v6 =	vsel vm4, $0x280, v6;
	v8 =	vsel vm10, $0x380, v8  }
0x19: {  	v7 =	vsel vm3, $0x280, v7;
	v6 =	vsel vm3, $0x300, v6;
	v8 =	vsel vm9, $0x0, v8  }
0x1a: {  	v7 =	vsel vm2, $0x300, v7;
	v10 =	vsel vm2, $0x380, v6;
	v8 =	vsel vm8, $0x80, v8  }
0x1b: {  	v7 =	vsel vm0, $0x380, v7;
	v10 =	vsel vm0, $0x0, v10;
	v11 =	vsel vm7, $0x100, v8  }
0x1c: {  	v6 =	vsel vm1, $0x0, v7;
	v7 =	vunpack.c.0.s8.s32 v9;
	v9 =	vsel vm6, $0x200, v11  }
0x1d: {  	s0 =	rddreg [dreg:$0x0];
	v8 =	vsel vm1, $0x80, v10;
	v11 =	vimm.s32 $0x200;
	v9 =	vsel vm5, $0x280, v9  }
0x1e: {  	s1 =	rddreg [dreg:$0x1];
	v10 =	vimm.s32 $0x32107654;
	v11 =	vsel vm13, $0x280, v11;
	v9 =	vsel vm4, $0x300, v9  }
0x1f: {  	s3 =	simm.s32 $0x0;
	s4 =	srdreg.scid;
	s2 =	stileid.u32;
	v10 =	vunpack.c.l.s4.s8 v10;
	v11 =	vsel vm12, $0x300, v11;
	v9 =	vsel vm3, $0x380, v9  }
0x20: {  	s15 =	simm.s32 $0x3;
	s16 =	simm.s32 $0x80;
	s17 =	simm.s32 $0x400;
	v4 =	vsel vm7, $0x380, v2;
	v11 =	vsel vm11, $0x380, v11;
	v13 =	vsel vm2, $0x0, v9  }
0x21: {  	s18 =	simm.s32 $0x1000;
	s19 =	simm.s32 $0x4A00;
	s20 =	simm.s32 $0xCA00;
	v9 =	vunpack.c.0.s8.s32 v10;
	v10 =	vsel vm0, $0x80, v13;
	v13 =	vsel vm10, $0x0, v11  }
0x22: {  	[smem:$0x7FF] =	sst s3;
	s4 =	sand.u32 $0x1, s4;
	s5 =	sshll.u32 s2, $0x1;
	v11 =	vunpack.c.0.s8.s32 v12;
	v12 =	vsel vm9, $0x80, v13;
	v13 =	vimm.s32 $0x280  }
0x23: {  	s6 =	sadd.s32 $0x1AC00, s0;
	_ =	strace $0x80000047;
	s8 =	sor.u32 s4, s5;
	v2 =	vmul.u32 $0x80, v1;
	v14 =	vsel vm7, $0x280, v14;
	v13 =	vsel vm13, $0x300, v13  }
0x24: {  	s7 =	ssub.s32 $0x2, s4;
	s4 =	sadd.s32 $0xC00, s0;
	s5 =	smul.u32 $0x32, s8;
	v4 =	vsel vm6, $0x80, v4;
	v14 =	vsel vm6, $0x380, v14;
	v13 =	vsel vm12, $0x380, v13  }
0x25: {  	s9 =	sshrl.u32 s7, $0x1;
	s22 =	sshll.u32 s8, $0x4;
	s14 =	smul.u32 $0x190000, s8;
	v4 =	vsel vm5, $0x100, v4;
	v14 =	vsel vm5, $0x0, v14;
	v13 =	vsel vm11, $0x0, v13  }
0x26: {  	s21 =	ssub.s32 s7, s9;
	s11 =	sand.u32 $0x30, s22;
	s22 =	simm.s32 $0x2;
	v4 =	vsel vm4, $0x180, v4;
	v12 =	vsel vm8, $0x100, v12;
	v13 =	vsel vm10, $0x80, v13  }
0x27: {  	s10 =	sshrl.u32 s5, $0x3;
	s23 =	sshll.u32 s5, $0x1;
	s24 =	sshll.u32 s5, $0x6;
	v14 =	vsel vm4, $0x80, v14;
	v12 =	vsel vm7, $0x180, v12;
	v13 =	vsel vm9, $0x100, v13  }
0x28: {  	s28 =	sshll.u32 s11, $0xC;
	s29 =	sand.u32 $0x3FC0000, s14;
	s30 =	sshll.u32 s11, $0x9;
	v4 =	vsel vm3, $0x200, v4;
	v12 =	vsel vm6, $0x280, v12;
	v13 =	vsel vm8, $0x180, v13  }
0x29: {  	s14 =	simm.s32 $0x3000;
	s7 =	sand.u32 $0x70, s23;
	s12 =	sadd.s32 $0x1, s10;
	v14 =	vsel vm3, $0x100, v14;
	v12 =	vsel vm5, $0x300, v12;
	v13 =	vsel vm7, $0x200, v13  }
0x2a: {  	s9 =	sand.u32 $0x1F000, s24;
	s10 =	sshll.u32 s10, $0xF;
	s31 =	sadd.s32 s1, s30;
	v4 =	vsel vm2, $0x280, v4;
	v12 =	vsel vm4, $0x380, v12;
	v13 =	vsel vm6, $0x300, v13  }
0x2b: {  	s23 =	simm.s32 $0x0;
	s7 =	sadd.s32 s4, s7;
	s13 =	sshll.u32 s12, $0x4;
	v14 =	vsel vm2, $0x180, v14;
	v12 =	vsel vm3, $0x0, v12;
	v13 =	vsel vm5, $0x380, v13  }
0x2c: {  	s12 =	sshll.u32 s12, $0x9;
	s10 =	sadd.s32 s10, s31;
	s13 =	sand.u32 $0x70, s13;
	v4 =	vsel vm0, $0x300, v4;
	v12 =	vsel vm2, $0x80, v12;
	v13 =	vsel vm4, $0x0, v13  }
0x2d: {  	s7 =	sadd.s32 s9, s7;
	s25 =	sand.u32 $0xFFFF000, s12;
	s12 =	sor.u32 s29, s28;
	v4 =	vsel vm1, $0x380, v4;
	v12 =	vsel vm0, $0x100, v12;
	v13 =	vsel vm3, $0x80, v13  }
0x2e: {  	s9 =	sor.u32 $0x3000, s11;
	s11 =	sor.u32 $0x3008, s11;
	s12 =	sor.u32 $0x8000, s12;
	v10 =	vsel vm1, $0x100, v10;
	v12 =	vsel vm1, $0x180, v12;
	v17 =	vsel vm2, $0x100, v13  }
0x2f: {  	s26 =	sadd.s32 s4, s13;
	s13 =	smax.u32 s21, $0x1;
	s12 =	sshrl.u32 s12, $0x3;
	v13 =	vunpack.c.0.s8.s32 v15;
	v15 =	vsel vm0, $0x180, v17;
	v17 =	vsel vm0, $0x200, v14  }
0x30: {  	s21 =	simm.s32 $0x1;
	s8 =	sadd.s32 s25, s26;
	s12 =	sadd.s32 s1, s12;
	v14 =	vsel vm1, $0x200, v15;
	v15 =	vunpack.c.0.s8.s32 v16;
	v16 =	vsel vm1, $0x280, v17  }
.LBB2_1:
0x31: {  	[tilespmem:s14], [sflag:$0x3] =	stream.linear.gather [hbm4b:s6+s3], $0x1A00, $0x38;
	[tilespmem:$0x14A00] =	vst v63  }
0x32: {  	_ =	swait.ge [sflag:s15], $0x1A00  }
0x33: {  	[sflag:s15] =	ssyncset.done $0x0  }
0x34: {  	[sflag:s15] =	ssyncadd.s32 $0xFFFFE600  }
0x35: {  	[tilespmem:s3], [sflag:$0x3] =	stream.strided.gather [hbm4b:s7+s16], $0x1000, s17, s16, $0x38;
	[tilespmem:$0x14A00] =	vst v63  }
0x36: {  	_ =	swait.ge [sflag:s15], $0x1000  }
0x37: {  	[sflag:s15] =	ssyncset.done $0x0  }
0x38: {  	[sflag:s15] =	ssyncadd.s32 $0xFFFFF000  }
0x39: {  	[tilespmem:s18], [sflag:$0x3] =	stream.strided.gather [hbm4b:s8+s16], $0x1000, s17, s16, $0x38;
	[tilespmem:$0x14A00] =	vst v63  }
0x3a: {  	_ =	swait.ge [sflag:s15], $0x1000  }
0x3b: {  	[sflag:s15] =	ssyncset.done $0x0  }
0x3c: {  	s25 =	simm.s32 $0x0;
	[sflag:s15] =	ssyncadd.s32 $0xFFFFF000  }
0x3d: {  	v17 =	vld [tilespmem:s25+$0x1000]  }
0x3e: {  	v18 =	vld [tilespmem:s25+$0x0];
	_ =	sdelay $0x3  }
0x3f: {  	s24 =	simm.s32 $0x10  }
0x40: {  	v19 =	vld [tilespmem:s24+$0x1000];
	v17 =	vsub.f32 v17, v18  }
0x41: {  	v18 =	vld [tilespmem:s24+$0x0]  }
0x42: {  	v17 =	vmul.f32 $1.000000000e+02, v17;
	_ =	sdelay $0x1  }
0x43: {  	v17 =	vtrunc.f32 v17  }
0x44: {  	v17 =	vcvt.f32.s32 v17  }
0x45: {  	v18 =	vsub.f32 v19, v18  }
0x46: {  	s26 =	simm.s32 $0x20;
	vm0 =	vgt.s32 v17, $0x0  }
0x47: {  	v19 =	vmul.f32 $1.000000000e+02, v18;
	v18 =	vnsel vm0, $0x0, v17;
	v17 =	vld [tilespmem:s26+$0x1000]  }
0x48: {  	v21 =	vmin.u32 v18, $0x64;
	v18 =	vld [tilespmem:s26+$0x0];
	_ =	sdelay $0x2  }
0x49: {  	s0 =	simm.s32 $0xC0;
	v20 =	vtrunc.f32 v19;
	v19 =	vmul.u32 $0x41, v21  }
.LBB2_2:
0x4a: {  	s28 =	sshra.s32 s0, $0x2;
	v20 =	vcvt.f32.s32 v20;
	p0 =	sne.s32 s0, $0x3FC0  }
.Ltmp0:
0x4b: {  	s0 =	sadd.s32 $0x40, s0;
	v21 =	vsub.f32 v17, v18;
	v17 =	vld [tilespmem:s28+$0x1000];
	[tilespmem:s25+$0x2000] =	vst v19;
	(pc) =	sbr.rel @p0 .LBB2_2-.Ltmp0, $4  }
0x4c: {  	s25 =	smov.u32 s24;
	s24 =	smov.u32 s26;
	s26 =	smov.u32 s28;
	v18 =	vld [tilespmem:s28+$0x0];
	vm0 =	vgt.s32 v20, $0x0  }
0x4d: {  	v19 =	vmul.f32 $1.000000000e+02, v21;
	v20 =	vnsel vm0, $0x0, v20  }
0x4e: {  	v21 =	vmin.u32 v20, $0x64  }
0x4f: {  	v20 =	vtrunc.f32 v19;
	v19 =	vmul.u32 $0x41, v21  }
0x50: {  	_ = 	snop  }
0x51: {  	v17 =	vsub.f32 v17, v18;
	_ =	sdelay $0x1  }
0x52: {  	v17 =	vmul.f32 $1.000000000e+02, v17;
	_ =	sdelay $0x1  }
0x53: {  	v18 =	vcvt.f32.s32 v20;
	v17 =	vtrunc.f32 v17  }
0x54: {  	v17 =	vcvt.f32.s32 v17  }
0x55: {  	vm0 =	vgt.s32 v18, $0x0  }
0x56: {  	v18 =	vnsel vm0, $0x0, v18;
	vm15 =	vgt.s32 v17, $0x0  }
0x57: {  	v18 =	vmin.u32 v18, $0x64;
	v17 =	vnsel vm15, $0x0, v17  }
0x58: {  	v18 =	vmul.u32 $0x41, v18;
	v17 =	vmin.u32 v17, $0x64  }
0x59: {  	[tilespmem:s25+$0x2000] =	vst v19;
	v17 =	vmul.u32 $0x41, v17  }
0x5a: {  	[tilespmem:s24+$0x2000] =	vst v18  }
0x5b: {  	s24 =	simm.s32 $0x2000;
	[tilespmem:s26+$0x2000] =	vst v17  }
0x5c: {  	v17 =	vld [tilespmem:s24+$0x0];
	_ =	sdelay $0x4  }
0x5d: {  	s0 =	simm.s32 $0x0;
	v18 =	vadd.s32 v1, v17  }
0x5e: {  	v19 =	vmov s0  }
0x5f: {  	v20 =	vor.u32 s0, v0;
	v19 =	vshll.u32 v19, $0x3  }
0x60: {  	v20 =	vand.u32 $0x7F, v20;
	v19 =	vand.u32 $0x7C00, v19  }
0x61: {  	v19 =	vor.u32 v19, v20  }
0x62: {  	v20 =	vor.u32 v2, v19;
	v18 =	vld.idx.msk [tilespmem:v18+s9+$0x0], $0xffff  }
0x63: {  	v21 =	vadd.s32 v3, v17;
	_ =	sdelay $0x3  }
0x64: {  	[tilespmem:v20+s19+$0x0] =	vst.idx.msk $0xffff, v18  }
0x65: {  	v20 =	vor.u32 v4, v19;
	v18 =	vld.idx.msk [tilespmem:v21+s9+$0x0], $0xffff  }
0x66: {  	v59 =	vadd.s32 v5, v17;
	_ =	sdelay $0x3  }
0x67: {  	[tilespmem:v20+s19+$0x0] =	vst.idx.msk $0xffff, v18  }
0x68: {  	v20 =	vor.u32 v6, v19;
	v18 =	vld.idx.msk [tilespmem:v59+s9+$0x0], $0xffff  }
0x69: {  	v60 =	vadd.s32 v7, v17;
	_ =	sdelay $0x3  }
0x6a: {  	[tilespmem:v20+s19+$0x0] =	vst.idx.msk $0xffff, v18  }
0x6b: {  	v20 =	vor.u32 v8, v19;
	v18 =	vld.idx.msk [tilespmem:v60+s9+$0x0], $0xffff  }
0x6c: {  	v61 =	vadd.s32 v9, v17;
	_ =	sdelay $0x3  }
0x6d: {  	[tilespmem:v20+s19+$0x0] =	vst.idx.msk $0xffff, v18  }
0x6e: {  	v20 =	vor.u32 v10, v19;
	v18 =	vld.idx.msk [tilespmem:v61+s9+$0x0], $0xffff  }
0x6f: {  	v62 =	vadd.s32 v11, v17;
	_ =	sdelay $0x3  }
0x70: {  	[tilespmem:v20+s19+$0x0] =	vst.idx.msk $0xffff, v18  }
0x71: {  	v20 =	vor.u32 v12, v19;
	v18 =	vld.idx.msk [tilespmem:v62+s9+$0x0], $0xffff  }
0x72: {  	v63 =	vadd.s32 v13, v17;
	_ =	sdelay $0x3  }
0x73: {  	[tilespmem:v20+s19+$0x0] =	vst.idx.msk $0xffff, v18  }
0x74: {  	v20 =	vor.u32 v14, v19;
	v18 =	vld.idx.msk [tilespmem:v63+s9+$0x0], $0xffff  }
0x75: {  	v17 =	vadd.s32 v15, v17;
	_ =	sdelay $0x3  }
0x76: {  	[tilespmem:v20+s19+$0x0] =	vst.idx.msk $0xffff, v18  }
0x77: {  	s25 =	simm.s32 $0x10;
	v18 =	vor.u32 v16, v19;
	v17 =	vld.idx.msk [tilespmem:v17+s9+$0x0], $0xffff  }
.LBB2_4:
0x78: {  	_ =	sdelay $0x2  }
0x79: {  	p0 =	sne.s32 s25, $0xFF0  }
0x7a: {  	s24 =	sadd.s32 $0x10, s24;
	s0 =	smov.u32 s25;
	s25 =	sadd.s32 $0x10, s25;
	[tilespmem:v18+s19+$0x0] =	vst.idx.msk $0xffff, v17  }
0x7b: {  	v17 =	vld [tilespmem:s24+$0x0];
	_ =	sdelay $0x4  }
0x7c: {  	v18 =	vadd.s32 v1, v17;
	_ =	sdelay $0x1  }
0x7d: {  	v19 =	vmov s0  }
0x7e: {  	v20 =	vor.u32 s0, v0;
	v19 =	vshll.u32 v19, $0x3  }
0x7f: {  	v20 =	vand.u32 $0x7F, v20;
	v19 =	vand.u32 $0x7C00, v19  }
0x80: {  	v19 =	vor.u32 v19, v20;
	v18 =	vld.idx.msk [tilespmem:v18+s9+$0x0], $0xffff  }
0x81: {  	v20 =	vor.u32 v2, v19  }
0x82: {  	v21 =	vadd.s32 v3, v17;
	_ =	sdelay $0x3  }
0x83: {  	[tilespmem:v20+s19+$0x0] =	vst.idx.msk $0xffff, v18  }
0x84: {  	v18 =	vld.idx.msk [tilespmem:v21+s9+$0x0], $0xffff  }
0x85: {  	v20 =	vor.u32 v4, v19  }
0x86: {  	v21 =	vadd.s32 v5, v17;
	_ =	sdelay $0x3  }
0x87: {  	[tilespmem:v20+s19+$0x0] =	vst.idx.msk $0xffff, v18  }
0x88: {  	v18 =	vld.idx.msk [tilespmem:v21+s9+$0x0], $0xffff  }
0x89: {  	v20 =	vor.u32 v6, v19  }
0x8a: {  	v21 =	vadd.s32 v7, v17;
	_ =	sdelay $0x3  }
0x8b: {  	[tilespmem:v20+s19+$0x0] =	vst.idx.msk $0xffff, v18  }
0x8c: {  	v18 =	vld.idx.msk [tilespmem:v21+s9+$0x0], $0xffff  }
0x8d: {  	v20 =	vor.u32 v8, v19  }
0x8e: {  	v21 =	vadd.s32 v9, v17;
	_ =	sdelay $0x3  }
0x8f: {  	[tilespmem:v20+s19+$0x0] =	vst.idx.msk $0xffff, v18  }
0x90: {  	v18 =	vld.idx.msk [tilespmem:v21+s9+$0x0], $0xffff  }
0x91: {  	v20 =	vor.u32 v10, v19  }
0x92: {  	v21 =	vadd.s32 v11, v17;
	_ =	sdelay $0x3  }
0x93: {  	[tilespmem:v20+s19+$0x0] =	vst.idx.msk $0xffff, v18  }
0x94: {  	v18 =	vld.idx.msk [tilespmem:v21+s9+$0x0], $0xffff  }
0x95: {  	v20 =	vor.u32 v12, v19  }
0x96: {  	v21 =	vadd.s32 v13, v17;
	_ =	sdelay $0x3  }
0x97: {  	[tilespmem:v20+s19+$0x0] =	vst.idx.msk $0xffff, v18  }
0x98: {  	v18 =	vld.idx.msk [tilespmem:v21+s9+$0x0], $0xffff  }
0x99: {  	v20 =	vor.u32 v14, v19  }
0x9a: {  	v17 =	vadd.s32 v15, v17;
	_ =	sdelay $0x1  }
.Ltmp1:
0x9b: {  	(pc) =	sbr.rel @p0 .LBB2_4-.Ltmp1, $4  }
0x9c: {  	_ = 	snop  }
0x9d: {  	[tilespmem:v20+s19+$0x0] =	vst.idx.msk $0xffff, v18  }
0x9e: {  	v17 =	vld.idx.msk [tilespmem:v17+s9+$0x0], $0xffff  }
0x9f: {  	v18 =	vor.u32 v16, v19  }
0xa0: {  	_ =	sdelay $0x3  }
0xa1: {  	s0 =	simm.s32 $0x0;
	s24 =	simm.s32 $0x2000;
	[tilespmem:v18+s19+$0x0] =	vst.idx.msk $0xffff, v17  }
0xa2: {  	[hbm4b:s10+s0] =	stream.linear.scatter [tilespmem:s19], [sflag:$0x1], $0x8000, $0x38;
	[tilespmem:$0x14A00] =	vst v63  }
0xa3: {  	v17 =	vld [tilespmem:s24+$0x0];
	_ =	sdelay $0x4  }
0xa4: {  	v18 =	vadd.s32 v1, v17  }
0xa5: {  	v19 =	vmov s0  }
0xa6: {  	v20 =	vor.u32 s0, v0;
	v19 =	vshll.u32 v19, $0x3  }
0xa7: {  	v20 =	vand.u32 $0x7F, v20;
	v19 =	vand.u32 $0x7C00, v19  }
0xa8: {  	v19 =	vor.u32 v19, v20  }
0xa9: {  	v20 =	vor.u32 v2, v19;
	v18 =	vld.idx.msk [tilespmem:v18+s11+$0x0], $0xffff  }
0xaa: {  	v21 =	vadd.s32 v3, v17;
	_ =	sdelay $0x3  }
0xab: {  	[tilespmem:v20+s20+$0x0] =	vst.idx.msk $0xffff, v18  }
0xac: {  	v20 =	vor.u32 v4, v19;
	v18 =	vld.idx.msk [tilespmem:v21+s11+$0x0], $0xffff  }
0xad: {  	v59 =	vadd.s32 v5, v17;
	_ =	sdelay $0x3  }
0xae: {  	[tilespmem:v20+s20+$0x0] =	vst.idx.msk $0xffff, v18  }
0xaf: {  	v20 =	vor.u32 v6, v19;
	v18 =	vld.idx.msk [tilespmem:v59+s11+$0x0], $0xffff  }
0xb0: {  	v60 =	vadd.s32 v7, v17;
	_ =	sdelay $0x3  }
0xb1: {  	[tilespmem:v20+s20+$0x0] =	vst.idx.msk $0xffff, v18  }
0xb2: {  	v20 =	vor.u32 v8, v19;
	v18 =	vld.idx.msk [tilespmem:v60+s11+$0x0], $0xffff  }
0xb3: {  	v61 =	vadd.s32 v9, v17;
	_ =	sdelay $0x3  }
0xb4: {  	[tilespmem:v20+s20+$0x0] =	vst.idx.msk $0xffff, v18  }
0xb5: {  	v20 =	vor.u32 v10, v19;
	v18 =	vld.idx.msk [tilespmem:v61+s11+$0x0], $0xffff  }
0xb6: {  	v62 =	vadd.s32 v11, v17;
	_ =	sdelay $0x3  }
0xb7: {  	[tilespmem:v20+s20+$0x0] =	vst.idx.msk $0xffff, v18  }
0xb8: {  	v20 =	vor.u32 v12, v19;
	v18 =	vld.idx.msk [tilespmem:v62+s11+$0x0], $0xffff  }
0xb9: {  	v63 =	vadd.s32 v13, v17;
	_ =	sdelay $0x3  }
0xba: {  	[tilespmem:v20+s20+$0x0] =	vst.idx.msk $0xffff, v18  }
0xbb: {  	v20 =	vor.u32 v14, v19;
	v18 =	vld.idx.msk [tilespmem:v63+s11+$0x0], $0xffff  }
0xbc: {  	v17 =	vadd.s32 v15, v17;
	_ =	sdelay $0x3  }
0xbd: {  	[tilespmem:v20+s20+$0x0] =	vst.idx.msk $0xffff, v18  }
0xbe: {  	s25 =	simm.s32 $0x10;
	v18 =	vor.u32 v16, v19;
	v17 =	vld.idx.msk [tilespmem:v17+s11+$0x0], $0xffff  }
.LBB2_6:
0xbf: {  	_ =	sdelay $0x2  }
0xc0: {  	p0 =	sne.s32 s25, $0xFF0  }
0xc1: {  	s24 =	sadd.s32 $0x10, s24;
	s0 =	smov.u32 s25;
	s25 =	sadd.s32 $0x10, s25;
	[tilespmem:v18+s20+$0x0] =	vst.idx.msk $0xffff, v17  }
0xc2: {  	v17 =	vld [tilespmem:s24+$0x0];
	_ =	sdelay $0x4  }
0xc3: {  	v18 =	vadd.s32 v1, v17;
	_ =	sdelay $0x1  }
0xc4: {  	v19 =	vmov s0  }
0xc5: {  	v20 =	vor.u32 s0, v0;
	v19 =	vshll.u32 v19, $0x3  }
0xc6: {  	v20 =	vand.u32 $0x7F, v20;
	v19 =	vand.u32 $0x7C00, v19  }
0xc7: {  	v19 =	vor.u32 v19, v20;
	v18 =	vld.idx.msk [tilespmem:v18+s11+$0x0], $0xffff  }
0xc8: {  	v20 =	vor.u32 v2, v19  }
0xc9: {  	v21 =	vadd.s32 v3, v17;
	_ =	sdelay $0x3  }
0xca: {  	[tilespmem:v20+s20+$0x0] =	vst.idx.msk $0xffff, v18  }
0xcb: {  	v18 =	vld.idx.msk [tilespmem:v21+s11+$0x0], $0xffff  }
0xcc: {  	v20 =	vor.u32 v4, v19  }
0xcd: {  	v21 =	vadd.s32 v5, v17;
	_ =	sdelay $0x3  }
0xce: {  	[tilespmem:v20+s20+$0x0] =	vst.idx.msk $0xffff, v18  }
0xcf: {  	v18 =	vld.idx.msk [tilespmem:v21+s11+$0x0], $0xffff  }
0xd0: {  	v20 =	vor.u32 v6, v19  }
0xd1: {  	v21 =	vadd.s32 v7, v17;
	_ =	sdelay $0x3  }
0xd2: {  	[tilespmem:v20+s20+$0x0] =	vst.idx.msk $0xffff, v18  }
0xd3: {  	v18 =	vld.idx.msk [tilespmem:v21+s11+$0x0], $0xffff  }
0xd4: {  	v20 =	vor.u32 v8, v19  }
0xd5: {  	v21 =	vadd.s32 v9, v17;
	_ =	sdelay $0x3  }
0xd6: {  	[tilespmem:v20+s20+$0x0] =	vst.idx.msk $0xffff, v18  }
0xd7: {  	v18 =	vld.idx.msk [tilespmem:v21+s11+$0x0], $0xffff  }
0xd8: {  	v20 =	vor.u32 v10, v19  }
0xd9: {  	v21 =	vadd.s32 v11, v17;
	_ =	sdelay $0x3  }
0xda: {  	[tilespmem:v20+s20+$0x0] =	vst.idx.msk $0xffff, v18  }
0xdb: {  	v18 =	vld.idx.msk [tilespmem:v21+s11+$0x0], $0xffff  }
0xdc: {  	v20 =	vor.u32 v12, v19  }
0xdd: {  	v21 =	vadd.s32 v13, v17;
	_ =	sdelay $0x3  }
0xde: {  	[tilespmem:v20+s20+$0x0] =	vst.idx.msk $0xffff, v18  }
0xdf: {  	v18 =	vld.idx.msk [tilespmem:v21+s11+$0x0], $0xffff  }
0xe0: {  	v20 =	vor.u32 v14, v19  }
0xe1: {  	v17 =	vadd.s32 v15, v17;
	_ =	sdelay $0x1  }
.Ltmp2:
0xe2: {  	(pc) =	sbr.rel @p0 .LBB2_6-.Ltmp2, $4  }
0xe3: {  	_ = 	snop  }
0xe4: {  	[tilespmem:v20+s20+$0x0] =	vst.idx.msk $0xffff, v18  }
0xe5: {  	v17 =	vld.idx.msk [tilespmem:v17+s11+$0x0], $0xffff  }
0xe6: {  	v18 =	vor.u32 v16, v19  }
0xe7: {  	_ =	sdelay $0x3  }
0xe8: {  	s24 =	simm.s32 $0x1;
	[tilespmem:v18+s20+$0x0] =	vst.idx.msk $0xffff, v17  }
0xe9: {  	[hbm4b:s12+s3] =	stream.linear.scatter [tilespmem:s20], [sflag:$0x2], $0x8000, $0x38;
	[tilespmem:$0x14A00] =	vst v63  }
.LBB2_8:
0xea: {  	s0 =	sshll.u32 s24, $0x1  }
0xeb: {  	s25 =	sadd.s32 s5, s0  }
0xec: {  	s26 =	sand.u32 $0x6, s25  }
0xed: {  	p0 =	sne.s32 s26, $0x0  }
.Ltmp3:
0xee: {  	_ = 	snop;
	(pc) =	sbr.rel @p0 .LBB2_12-.Ltmp3, $4  }
0xef: {  	_ = 	snop  }
0xf0: {  	_ =	swait.ge [sflag:s21], $0x8000  }
0xf1: {  	[sflag:s21] =	ssyncset.done $0x0  }
0xf2: {  	[sflag:s21] =	ssyncadd.s32 $0xFFFF8000;
	s28 =	sshrl.u32 s25, $0x3  }
0xf3: {  	s0 =	sshll.u32 s28, $0x4  }
0xf4: {  	s29 =	sshll.u32 s28, $0x9;
	s0 =	sand.u32 $0x70, s0  }
0xf5: {  	s29 =	sand.u32 $0xFFFF000, s29;
	s0 =	sadd.s32 s4, s0  }
0xf6: {  	s2 =	sadd.s32 $0x1, s28;
	s0 =	sadd.s32 s29, s0;
	s29 =	simm.s32 $0x0  }
0xf7: {  	[tilespmem:s29], [sflag:$0x3] =	stream.strided.gather [hbm4b:s0+s16], $0x1000, s17, s16, $0x38;
	[tilespmem:$0x14A00] =	vst v63  }
0xf8: {  	s29 =	sshll.u32 s2, $0xC;
	s0 =	sshll.u32 s2, $0x7  }
0xf9: {  	s29 =	sand.u32 $0xFFFF8000, s29;
	s0 =	sand.u32 $0x380, s0  }
0xfa: {  	_ =	swait.ge [sflag:s15], $0x1000;
	s0 =	sor.u32 s0, s29  }
0xfb: {  	[sflag:s15] =	ssyncset.done $0x0;
	s0 =	sshrl.u32 s0, $0x3  }
0xfc: {  	[sflag:s15] =	ssyncadd.s32 $0xFFFFF000;
	s0 =	sadd.s32 s4, s0  }
0xfd: {  	[tilespmem:s18], [sflag:$0x3] =	stream.strided.gather [hbm4b:s0+s16], $0x1000, s17, s16, $0x38;
	[tilespmem:$0x14A00] =	vst v63  }
0xfe: {  	_ =	swait.ge [sflag:s15], $0x1000  }
0xff: {  	[sflag:s15] =	ssyncset.done $0x0  }
0x100: {  	s30 =	simm.s32 $0x0;
	[sflag:s15] =	ssyncadd.s32 $0xFFFFF000  }
0x101: {  	v17 =	vld [tilespmem:s30+$0x1000]  }
0x102: {  	v18 =	vld [tilespmem:s30+$0x0];
	_ =	sdelay $0x3  }
0x103: {  	s29 =	simm.s32 $0x10  }
0x104: {  	v19 =	vld [tilespmem:s29+$0x1000];
	v17 =	vsub.f32 v17, v18  }
0x105: {  	v18 =	vld [tilespmem:s29+$0x0]  }
0x106: {  	v17 =	vmul.f32 $1.000000000e+02, v17;
	_ =	sdelay $0x1  }
0x107: {  	v17 =	vtrunc.f32 v17  }
0x108: {  	v17 =	vcvt.f32.s32 v17  }
0x109: {  	v18 =	vsub.f32 v19, v18  }
0x10a: {  	s31 =	simm.s32 $0x20;
	vm0 =	vgt.s32 v17, $0x0  }
0x10b: {  	v19 =	vmul.f32 $1.000000000e+02, v18;
	v18 =	vnsel vm0, $0x0, v17;
	v17 =	vld [tilespmem:s31+$0x1000]  }
0x10c: {  	v21 =	vmin.u32 v18, $0x64;
	v18 =	vld [tilespmem:s31+$0x0];
	_ =	sdelay $0x2  }
0x10d: {  	s0 =	simm.s32 $0xC0;
	v20 =	vtrunc.f32 v19;
	v19 =	vmul.u32 $0x41, v21  }
.LBB2_10:
0x10e: {  	s2 =	sshra.s32 s0, $0x2;
	v20 =	vcvt.f32.s32 v20;
	p0 =	sne.s32 s0, $0x3FC0  }
.Ltmp4:
0x10f: {  	s0 =	sadd.s32 $0x40, s0;
	v21 =	vsub.f32 v17, v18;
	v17 =	vld [tilespmem:s2+$0x1000];
	[tilespmem:s30+$0x2000] =	vst v19;
	(pc) =	sbr.rel @p0 .LBB2_10-.Ltmp4, $4  }
0x110: {  	s30 =	smov.u32 s29;
	s29 =	smov.u32 s31;
	s31 =	smov.u32 s2;
	v18 =	vld [tilespmem:s2+$0x0];
	vm0 =	vgt.s32 v20, $0x0  }
0x111: {  	v19 =	vmul.f32 $1.000000000e+02, v21;
	v20 =	vnsel vm0, $0x0, v20  }
0x112: {  	v21 =	vmin.u32 v20, $0x64  }
0x113: {  	v20 =	vtrunc.f32 v19;
	v19 =	vmul.u32 $0x41, v21  }
0x114: {  	_ = 	snop  }
0x115: {  	v17 =	vsub.f32 v17, v18;
	_ =	sdelay $0x1  }
0x116: {  	v17 =	vmul.f32 $1.000000000e+02, v17;
	_ =	sdelay $0x1  }
0x117: {  	v18 =	vcvt.f32.s32 v20;
	v17 =	vtrunc.f32 v17  }
0x118: {  	v17 =	vcvt.f32.s32 v17  }
0x119: {  	vm0 =	vgt.s32 v18, $0x0  }
0x11a: {  	v18 =	vnsel vm0, $0x0, v18;
	vm15 =	vgt.s32 v17, $0x0  }
0x11b: {  	v18 =	vmin.u32 v18, $0x64;
	v17 =	vnsel vm15, $0x0, v17  }
0x11c: {  	v18 =	vmul.u32 $0x41, v18;
	v17 =	vmin.u32 v17, $0x64  }
0x11d: {  	[tilespmem:s30+$0x2000] =	vst v19;
	v17 =	vmul.u32 $0x41, v17  }
0x11e: {  	[tilespmem:s29+$0x2000] =	vst v18  }
0x11f: {  	[tilespmem:s31+$0x2000] =	vst v17  }
.LBB2_12:
0x120: {  	s29 =	simm.s32 $0x2000  }
0x121: {  	v17 =	vld [tilespmem:s29+$0x0];
	_ =	sdelay $0x4  }
0x122: {  	s0 =	simm.s32 $0x0;
	v18 =	vadd.s32 v1, v17  }
0x123: {  	v19 =	vmov s0  }
0x124: {  	v20 =	vor.u32 s0, v0;
	v19 =	vshll.u32 v19, $0x3  }
0x125: {  	s2 =	sshll.u32 s26, $0x3;
	v20 =	vand.u32 $0x7F, v20;
	v19 =	vand.u32 $0x7C00, v19  }
0x126: {  	s30 =	sor.u32 $0x3000, s2;
	v19 =	vor.u32 v19, v20  }
0x127: {  	v20 =	vor.u32 v2, v19;
	v18 =	vld.idx.msk [tilespmem:v18+s30+$0x0], $0xffff  }
0x128: {  	v21 =	vadd.s32 v3, v17;
	_ =	sdelay $0x3  }
0x129: {  	[tilespmem:v20+s19+$0x0] =	vst.idx.msk $0xffff, v18  }
0x12a: {  	v20 =	vor.u32 v4, v19;
	v18 =	vld.idx.msk [tilespmem:v21+s30+$0x0], $0xffff  }
0x12b: {  	v59 =	vadd.s32 v5, v17;
	_ =	sdelay $0x3  }
0x12c: {  	[tilespmem:v20+s19+$0x0] =	vst.idx.msk $0xffff, v18  }
0x12d: {  	v20 =	vor.u32 v6, v19;
	v18 =	vld.idx.msk [tilespmem:v59+s30+$0x0], $0xffff  }
0x12e: {  	v60 =	vadd.s32 v7, v17;
	_ =	sdelay $0x3  }
0x12f: {  	[tilespmem:v20+s19+$0x0] =	vst.idx.msk $0xffff, v18  }
0x130: {  	v20 =	vor.u32 v8, v19;
	v18 =	vld.idx.msk [tilespmem:v60+s30+$0x0], $0xffff  }
0x131: {  	v61 =	vadd.s32 v9, v17;
	_ =	sdelay $0x3  }
0x132: {  	[tilespmem:v20+s19+$0x0] =	vst.idx.msk $0xffff, v18  }
0x133: {  	v20 =	vor.u32 v10, v19;
	v18 =	vld.idx.msk [tilespmem:v61+s30+$0x0], $0xffff  }
0x134: {  	v62 =	vadd.s32 v11, v17;
	_ =	sdelay $0x3  }
0x135: {  	[tilespmem:v20+s19+$0x0] =	vst.idx.msk $0xffff, v18  }
0x136: {  	v20 =	vor.u32 v12, v19;
	v18 =	vld.idx.msk [tilespmem:v62+s30+$0x0], $0xffff  }
0x137: {  	v63 =	vadd.s32 v13, v17;
	_ =	sdelay $0x3  }
0x138: {  	[tilespmem:v20+s19+$0x0] =	vst.idx.msk $0xffff, v18  }
0x139: {  	v20 =	vor.u32 v14, v19;
	v18 =	vld.idx.msk [tilespmem:v63+s30+$0x0], $0xffff  }
0x13a: {  	v17 =	vadd.s32 v15, v17;
	_ =	sdelay $0x3  }
0x13b: {  	[tilespmem:v20+s19+$0x0] =	vst.idx.msk $0xffff, v18  }
0x13c: {  	s31 =	simm.s32 $0x10;
	v18 =	vor.u32 v16, v19;
	v17 =	vld.idx.msk [tilespmem:v17+s30+$0x0], $0xffff  }
.LBB2_13:
0x13d: {  	_ =	sdelay $0x2  }
0x13e: {  	p0 =	sne.s32 s31, $0xFF0  }
0x13f: {  	s29 =	sadd.s32 $0x10, s29;
	s0 =	smov.u32 s31;
	s31 =	sadd.s32 $0x10, s31;
	[tilespmem:v18+s19+$0x0] =	vst.idx.msk $0xffff, v17  }
0x140: {  	v17 =	vld [tilespmem:s29+$0x0];
	_ =	sdelay $0x4  }
0x141: {  	v18 =	vadd.s32 v1, v17;
	_ =	sdelay $0x1  }
0x142: {  	v19 =	vmov s0  }
0x143: {  	v20 =	vor.u32 s0, v0;
	v19 =	vshll.u32 v19, $0x3  }
0x144: {  	v20 =	vand.u32 $0x7F, v20;
	v19 =	vand.u32 $0x7C00, v19  }
0x145: {  	v19 =	vor.u32 v19, v20;
	v18 =	vld.idx.msk [tilespmem:v18+s30+$0x0], $0xffff  }
0x146: {  	v20 =	vor.u32 v2, v19  }
0x147: {  	v21 =	vadd.s32 v3, v17;
	_ =	sdelay $0x3  }
0x148: {  	[tilespmem:v20+s19+$0x0] =	vst.idx.msk $0xffff, v18  }
0x149: {  	v18 =	vld.idx.msk [tilespmem:v21+s30+$0x0], $0xffff  }
0x14a: {  	v20 =	vor.u32 v4, v19  }
0x14b: {  	v21 =	vadd.s32 v5, v17;
	_ =	sdelay $0x3  }
0x14c: {  	[tilespmem:v20+s19+$0x0] =	vst.idx.msk $0xffff, v18  }
0x14d: {  	v18 =	vld.idx.msk [tilespmem:v21+s30+$0x0], $0xffff  }
0x14e: {  	v20 =	vor.u32 v6, v19  }
0x14f: {  	v21 =	vadd.s32 v7, v17;
	_ =	sdelay $0x3  }
0x150: {  	[tilespmem:v20+s19+$0x0] =	vst.idx.msk $0xffff, v18  }
0x151: {  	v18 =	vld.idx.msk [tilespmem:v21+s30+$0x0], $0xffff  }
0x152: {  	v20 =	vor.u32 v8, v19  }
0x153: {  	v21 =	vadd.s32 v9, v17;
	_ =	sdelay $0x3  }
0x154: {  	[tilespmem:v20+s19+$0x0] =	vst.idx.msk $0xffff, v18  }
0x155: {  	v18 =	vld.idx.msk [tilespmem:v21+s30+$0x0], $0xffff  }
0x156: {  	v20 =	vor.u32 v10, v19  }
0x157: {  	v21 =	vadd.s32 v11, v17;
	_ =	sdelay $0x3  }
0x158: {  	[tilespmem:v20+s19+$0x0] =	vst.idx.msk $0xffff, v18  }
0x159: {  	v18 =	vld.idx.msk [tilespmem:v21+s30+$0x0], $0xffff  }
0x15a: {  	v20 =	vor.u32 v12, v19  }
0x15b: {  	v21 =	vadd.s32 v13, v17;
	_ =	sdelay $0x3  }
0x15c: {  	[tilespmem:v20+s19+$0x0] =	vst.idx.msk $0xffff, v18  }
0x15d: {  	v18 =	vld.idx.msk [tilespmem:v21+s30+$0x0], $0xffff  }
0x15e: {  	v20 =	vor.u32 v14, v19  }
0x15f: {  	v17 =	vadd.s32 v15, v17;
	_ =	sdelay $0x1  }
.Ltmp5:
0x160: {  	(pc) =	sbr.rel @p0 .LBB2_13-.Ltmp5, $4  }
0x161: {  	_ = 	snop  }
0x162: {  	[tilespmem:v20+s19+$0x0] =	vst.idx.msk $0xffff, v18  }
0x163: {  	v17 =	vld.idx.msk [tilespmem:v17+s30+$0x0], $0xffff  }
0x164: {  	v18 =	vor.u32 v16, v19  }
0x165: {  	_ =	sdelay $0x1  }
0x166: {  	s0 =	sshll.u32 s26, $0xC  }
0x167: {  	s2 =	sshll.u32 s28, $0xF;
	s0 =	sadd.s32 s1, s0  }
0x168: {  	s0 =	sadd.s32 s2, s0;
	s2 =	simm.s32 $0x0;
	[tilespmem:v18+s19+$0x0] =	vst.idx.msk $0xffff, v17  }
0x169: {  	[hbm4b:s0+s2] =	stream.linear.scatter [tilespmem:s19], [sflag:$0x1], $0x8000, $0x38;
	[tilespmem:$0x14A00] =	vst v63  }
0x16a: {  	_ =	swait.ge [sflag:s22], $0x8000  }
0x16b: {  	[sflag:s22] =	ssyncset.done $0x0  }
0x16c: {  	s26 =	simm.s32 $0x2000;
	[sflag:s22] =	ssyncadd.s32 $0xFFFF8000  }
0x16d: {  	v17 =	vld [tilespmem:s26+$0x0];
	_ =	sdelay $0x4  }
0x16e: {  	v18 =	vadd.s32 v1, v17  }
0x16f: {  	v19 =	vmov s2  }
0x170: {  	s31 =	sshll.u32 s25, $0x3;
	v20 =	vor.u32 s2, v0;
	v19 =	vshll.u32 v19, $0x3  }
0x171: {  	s0 =	sand.u32 $0x30, s31;
	v20 =	vand.u32 $0x7F, v20;
	v19 =	vand.u32 $0x7C00, v19  }
0x172: {  	s28 =	sor.u32 $0x3008, s0;
	v19 =	vor.u32 v19, v20  }
0x173: {  	v20 =	vor.u32 v2, v19;
	v18 =	vld.idx.msk [tilespmem:v18+s28+$0x0], $0xffff  }
0x174: {  	v21 =	vadd.s32 v3, v17;
	_ =	sdelay $0x3  }
0x175: {  	[tilespmem:v20+s20+$0x0] =	vst.idx.msk $0xffff, v18  }
0x176: {  	v20 =	vor.u32 v4, v19;
	v18 =	vld.idx.msk [tilespmem:v21+s28+$0x0], $0xffff  }
0x177: {  	v59 =	vadd.s32 v5, v17;
	_ =	sdelay $0x3  }
0x178: {  	[tilespmem:v20+s20+$0x0] =	vst.idx.msk $0xffff, v18  }
0x179: {  	v20 =	vor.u32 v6, v19;
	v18 =	vld.idx.msk [tilespmem:v59+s28+$0x0], $0xffff  }
0x17a: {  	v60 =	vadd.s32 v7, v17;
	_ =	sdelay $0x3  }
0x17b: {  	[tilespmem:v20+s20+$0x0] =	vst.idx.msk $0xffff, v18  }
0x17c: {  	v20 =	vor.u32 v8, v19;
	v18 =	vld.idx.msk [tilespmem:v60+s28+$0x0], $0xffff  }
0x17d: {  	v61 =	vadd.s32 v9, v17;
	_ =	sdelay $0x3  }
0x17e: {  	[tilespmem:v20+s20+$0x0] =	vst.idx.msk $0xffff, v18  }
0x17f: {  	v20 =	vor.u32 v10, v19;
	v18 =	vld.idx.msk [tilespmem:v61+s28+$0x0], $0xffff  }
0x180: {  	v62 =	vadd.s32 v11, v17;
	_ =	sdelay $0x3  }
0x181: {  	[tilespmem:v20+s20+$0x0] =	vst.idx.msk $0xffff, v18  }
0x182: {  	v20 =	vor.u32 v12, v19;
	v18 =	vld.idx.msk [tilespmem:v62+s28+$0x0], $0xffff  }
0x183: {  	v63 =	vadd.s32 v13, v17;
	_ =	sdelay $0x3  }
0x184: {  	[tilespmem:v20+s20+$0x0] =	vst.idx.msk $0xffff, v18  }
0x185: {  	v20 =	vor.u32 v14, v19;
	v18 =	vld.idx.msk [tilespmem:v63+s28+$0x0], $0xffff  }
0x186: {  	v17 =	vadd.s32 v15, v17;
	_ =	sdelay $0x3  }
0x187: {  	[tilespmem:v20+s20+$0x0] =	vst.idx.msk $0xffff, v18  }
0x188: {  	s30 =	simm.s32 $0x10;
	s29 =	sor.u32 $0x8, s0;
	v18 =	vor.u32 v16, v19;
	v17 =	vld.idx.msk [tilespmem:v17+s28+$0x0], $0xffff  }
.LBB2_15:
0x189: {  	_ =	sdelay $0x2  }
0x18a: {  	p0 =	sne.s32 s30, $0xFF0  }
0x18b: {  	s26 =	sadd.s32 $0x10, s26;
	s0 =	smov.u32 s30;
	s30 =	sadd.s32 $0x10, s30;
	[tilespmem:v18+s20+$0x0] =	vst.idx.msk $0xffff, v17  }
0x18c: {  	v17 =	vld [tilespmem:s26+$0x0];
	_ =	sdelay $0x4  }
0x18d: {  	v18 =	vadd.s32 v1, v17;
	_ =	sdelay $0x1  }
0x18e: {  	v19 =	vmov s0  }
0x18f: {  	v20 =	vor.u32 s0, v0;
	v19 =	vshll.u32 v19, $0x3  }
0x190: {  	v20 =	vand.u32 $0x7F, v20;
	v19 =	vand.u32 $0x7C00, v19  }
0x191: {  	v19 =	vor.u32 v19, v20;
	v18 =	vld.idx.msk [tilespmem:v18+s28+$0x0], $0xffff  }
0x192: {  	v20 =	vor.u32 v2, v19  }
0x193: {  	v21 =	vadd.s32 v3, v17;
	_ =	sdelay $0x3  }
0x194: {  	[tilespmem:v20+s20+$0x0] =	vst.idx.msk $0xffff, v18  }
0x195: {  	v18 =	vld.idx.msk [tilespmem:v21+s28+$0x0], $0xffff  }
0x196: {  	v20 =	vor.u32 v4, v19  }
0x197: {  	v21 =	vadd.s32 v5, v17;
	_ =	sdelay $0x3  }
0x198: {  	[tilespmem:v20+s20+$0x0] =	vst.idx.msk $0xffff, v18  }
0x199: {  	v18 =	vld.idx.msk [tilespmem:v21+s28+$0x0], $0xffff  }
0x19a: {  	v20 =	vor.u32 v6, v19  }
0x19b: {  	v21 =	vadd.s32 v7, v17;
	_ =	sdelay $0x3  }
0x19c: {  	[tilespmem:v20+s20+$0x0] =	vst.idx.msk $0xffff, v18  }
0x19d: {  	v18 =	vld.idx.msk [tilespmem:v21+s28+$0x0], $0xffff  }
0x19e: {  	v20 =	vor.u32 v8, v19  }
0x19f: {  	v21 =	vadd.s32 v9, v17;
	_ =	sdelay $0x3  }
0x1a0: {  	[tilespmem:v20+s20+$0x0] =	vst.idx.msk $0xffff, v18  }
0x1a1: {  	v18 =	vld.idx.msk [tilespmem:v21+s28+$0x0], $0xffff  }
0x1a2: {  	v20 =	vor.u32 v10, v19  }
0x1a3: {  	v21 =	vadd.s32 v11, v17;
	_ =	sdelay $0x3  }
0x1a4: {  	[tilespmem:v20+s20+$0x0] =	vst.idx.msk $0xffff, v18  }
0x1a5: {  	v18 =	vld.idx.msk [tilespmem:v21+s28+$0x0], $0xffff  }
0x1a6: {  	v20 =	vor.u32 v12, v19  }
0x1a7: {  	v21 =	vadd.s32 v13, v17;
	_ =	sdelay $0x3  }
0x1a8: {  	[tilespmem:v20+s20+$0x0] =	vst.idx.msk $0xffff, v18  }
0x1a9: {  	v18 =	vld.idx.msk [tilespmem:v21+s28+$0x0], $0xffff  }
0x1aa: {  	v20 =	vor.u32 v14, v19  }
0x1ab: {  	v17 =	vadd.s32 v15, v17;
	_ =	sdelay $0x1  }
.Ltmp6:
0x1ac: {  	(pc) =	sbr.rel @p0 .LBB2_15-.Ltmp6, $4  }
0x1ad: {  	_ = 	snop  }
0x1ae: {  	[tilespmem:v20+s20+$0x0] =	vst.idx.msk $0xffff, v18  }
0x1af: {  	v17 =	vld.idx.msk [tilespmem:v17+s28+$0x0], $0xffff  }
0x1b0: {  	v18 =	vor.u32 v16, v19  }
0x1b1: {  	s24 =	sadd.s32 $0x1, s24  }
0x1b2: {  	p0 =	sne.s32 s24, $0x19  }
.Ltmp7:
0x1b3: {  	s0 =	sshll.u32 s25, $0xC;
	(pc) =	sbr.rel @p0 .LBB2_8-.Ltmp7, $4  }
0x1b4: {  	s0 =	sand.u32 $0xFFF8000, s0  }
0x1b5: {  	s2 =	sshll.u32 s29, $0x9;
	s0 =	sadd.s32 s1, s0  }
0x1b6: {  	[tilespmem:v18+s20+$0x0] =	vst.idx.msk $0xffff, v17;
	s0 =	sadd.s32 s2, s0  }
0x1b7: {  	[hbm4b:s0+s3] =	stream.linear.scatter [tilespmem:s20], [sflag:$0x2], $0x8000, $0x38;
	[tilespmem:$0x14A00] =	vst v63  }
0x1b8: {  	s23 =	sadd.s32 $0x1, s23  }
0x1b9: {  	_ =	swait.ge [sflag:s21], $0x8000;
	p0 =	sne.s32 s23, s13  }
.Ltmp8:
0x1ba: {  	[sflag:s21] =	ssyncset.done $0x0;
	(pc) =	sbr.rel @p0 .LBB2_1-.Ltmp8, $4  }
0x1bb: {  	[sflag:s21] =	ssyncadd.s32 $0xFFFF8000  }
0x1bc: {  	_ =	swait.ge [sflag:s22], $0x8000  }
0x1bd: {  	[sflag:s22] =	ssyncset.done $0x0  }
0x1be: {  	[sflag:s22] =	ssyncadd.s32 $0xFFFF8000  }
0x1bf: {  	_ =	sfence.sel $0x180000  }
0x1c0: {  	[bflag:$0x0] =	sbarrier.arrive $0xFFFF  }
0x1c1: {  	_ =	strace $0x90000047  }
0x1c2: {  	s0 =	stileid.u32;
	[bflag:$0x2] =	sbarrier.arrive $0xFFFF  }
0x1c3: {  	p0 =	sne.s32 s0, $0x0;
	s0 =	rddreg [dreg:$0x2]  }
0x1c4: {  	s0 =	sadd.s32 @!p0 $0x100000, s0  }
0x1c5: {  	[sflag:s0] =	ssyncadd.tile.s32 @!p0 $0x1;
	_ =	shalt  }
.Lfunc_end2:
_tile_overlayer_lowered:
.L_overlay_start_2:
0x1c6: {  	(tag) =	ssettag $0x2  }
0x1c7: {  	s0 =	rddreg [dreg:$0x0];
	s2 =	stileid.u32  }
0x1c8: {  	s1 =	rddreg [dreg:$0x1];
	p0 =	sne.s32 s2, $0x0  }
0x1c9: {  	s3 =	rddreg [dreg:$0x2];
	[bflag:$0x3] =	sbarrier.arrive $0xFFFF;
	s2 =	simm.s32 @!p0 $0x1C03  }
0x1ca: {  	[timem:s3], [sflag:s2] =	dma.local @!p0 [hbm:s0], s1  }
0x1cb: {  	s0 =	simm.s32 @!p0 $0x3  }
0x1cc: {  	_ =	swait.ge @!p0 [sflag:s0], s1  }
0x1cd: {  	s1 =	ssub.s32 @!p0 $0x0, s1;
	[sflag:s0] =	ssyncset.done @!p0 $0x0  }
0x1ce: {  	[sflag:s0] =	ssyncadd.s32 @!p0 s1  }
0x1cf: {  	[bflag:$0x3] =	sbarrier.arrive $0xFFFF  }
0x1d0: {  	_ =	shalt  }

</sc_bundles>
